<compile_context>
chip_gen: v7x
topology: tpu7x:2x2x1
jax: 0.10.2.dev20260603
libtpu: 0.0.44.dev20260713+nightly
codegen_flags: <defaults>
</compile_context>

<pallas_src>
import functools

import jax
import jax.numpy as jnp
from jax import lax
from jax.experimental import pallas as pl
from jax.experimental.pallas import tpu as pltpu
from jax.experimental.pallas import tpu_sc as plsc

D_MODEL = 128
NUM_CORES = 2
NUM_SUBCORES = 16
NUM_WORKERS = NUM_CORES * NUM_SUBCORES
NBUF = 6
LAG = 5
CHUNK = 128


def kernel(X, table):
    B = X.shape[0] * X.shape[1]
    per_w = B // NUM_WORKERS
    nchunk = per_w // CHUNK
    idx = X.reshape(NUM_WORKERS, nchunk, CHUNK).astype(jnp.int32)
    mesh = plsc.VectorSubcoreMesh(core_axis_name="c", subcore_axis_name="s")

    @functools.partial(
        pl.kernel,
        mesh=mesh,
        out_type=jax.ShapeDtypeStruct((B, D_MODEL), table.dtype),
        scratch_types=[pltpu.VMEM((nchunk, CHUNK), jnp.int32),
                       pltpu.VMEM((NBUF, CHUNK, D_MODEL), table.dtype)]
                      + [pltpu.SemaphoreType.DMA] * (2 * NBUF),
    )
    def gather_kernel(table_hbm, idx_hbm, out_hbm, idx_v, rows_v, *sems):
        gsem = sems[:NBUF]
        wsem = sems[NBUF:]
        wid = lax.axis_index("s") * NUM_CORES + lax.axis_index("c")
        base = wid * per_w
        pltpu.sync_copy(idx_hbm.at[wid], idx_v)

        def gather_start(c, b):
            pltpu.make_async_copy(
                table_hbm.at[idx_v.at[c]], rows_v.at[b], gsem[b]).start()

        def gather_wait(b):
            pltpu.make_async_copy(
                table_hbm.at[idx_v.at[0]], rows_v.at[b], gsem[b]).wait()

        def write_start(c, b):
            pltpu.make_async_copy(
                rows_v.at[b], out_hbm.at[pl.ds(base + c * CHUNK, CHUNK)],
                wsem[b]).start()

        def write_wait(b):
            pltpu.make_async_copy(
                rows_v.at[b], out_hbm.at[pl.ds(base, CHUNK)], wsem[b]).wait()

        for v in range(NBUF):
            gather_start(v, v)
            if v >= LAG:
                gather_wait(v - LAG)
                write_start(v - LAG, v - LAG)

        steady_end = NBUF + ((nchunk - NBUF) // NBUF) * NBUF
        @pl.loop(NBUF, steady_end, step=NBUF)
        def _(g):
            for b in range(NBUF):
                c = g + b
                write_wait(b)
                gather_start(c, b)
                b2 = (b + NBUF - LAG) % NBUF
                gather_wait(b2)
                write_start(c - LAG, b2)

        for v in range(steady_end, nchunk):
            b = v % NBUF
            write_wait(b)
            gather_start(v, b)
            b2 = (v - LAG) % NBUF
            gather_wait(b2)
            write_start(v - LAG, b2)

        for c in range(nchunk - LAG, nchunk):
            gather_wait(c % NBUF)
            write_start(c, c % NBUF)
        for c in range(nchunk - NBUF, nchunk):
            write_wait(c % NBUF)

    out = gather_kernel(table, idx)
    return out.reshape(X.shape[0], X.shape[1], D_MODEL)

# --- scband reference (transcript-rebuilt; emitter-appended) ---
"""Pipeline reference for scband-embedding-18056042513153 (READ-ONLY COPY).

The authoritative reference and input builder live on the scoring server;
editing this copy changes nothing except your own understanding.
"""

import jax, jax.numpy as jnp
import numpy as np

VOC_LEN = 100000
D_MODEL = 128

def setup_inputs(seed: int = 0) -> dict:
    key = jax.random.key(seed)
    k1, k2 = jax.random.split(key)
    X = jax.random.randint(k1, (4096, 200), 0, VOC_LEN, dtype=jnp.int64 if jax.config.jax_enable_x64 else jnp.int32)
    table = jax.random.normal(k2, (VOC_LEN, D_MODEL), dtype=jnp.float32)
    return {"X": X, "table": table}

def reference(X, table):
    # nn.Embedding forward: gather rows of the table
    return jnp.take(table, X, axis=0)

if __name__ == "__main__":
    import jax
    _d = setup_inputs()
    print(jax.jit(kernel)(*tuple(_d.values())))

</pallas_src>

<mosaic_0001>
#map = affine_map<(d0, d1) -> (0, 0)>
#map1 = affine_map<(d0, d1) -> (0, 0, 0)>
module attributes {stable_mosaic.version = 14 : i64} {
  func.func @gather_kernel(%arg0: i32, %arg1: i32, %arg2: memref<100000x128xf32, #tpu.memory_space<hbm>>, %arg3: memref<32x200x128xi32, #tpu.memory_space<hbm>>, %arg4: memref<819200x128xf32, #tpu.memory_space<hbm>>, %arg5: memref<200x128xi32, #tpu.memory_space<vmem>>, %arg6: memref<6x128x128xf32, #tpu.memory_space<vmem>>, %arg7: memref<!tpu.dma_semaphore, #tpu.memory_space<semaphore_mem>>, %arg8: memref<!tpu.dma_semaphore, #tpu.memory_space<semaphore_mem>>, %arg9: memref<!tpu.dma_semaphore, #tpu.memory_space<semaphore_mem>>, %arg10: memref<!tpu.dma_semaphore, #tpu.memory_space<semaphore_mem>>, %arg11: memref<!tpu.dma_semaphore, #tpu.memory_space<semaphore_mem>>, %arg12: memref<!tpu.dma_semaphore, #tpu.memory_space<semaphore_mem>>, %arg13: memref<!tpu.dma_semaphore, #tpu.memory_space<semaphore_mem>>, %arg14: memref<!tpu.dma_semaphore, #tpu.memory_space<semaphore_mem>>, %arg15: memref<!tpu.dma_semaphore, #tpu.memory_space<semaphore_mem>>, %arg16: memref<!tpu.dma_semaphore, #tpu.memory_space<semaphore_mem>>, %arg17: memref<!tpu.dma_semaphore, #tpu.memory_space<semaphore_mem>>, %arg18: memref<!tpu.dma_semaphore, #tpu.memory_space<semaphore_mem>>) attributes {dimension_semantics = [#tpu.dimension_semantics<core_parallel>, #tpu.dimension_semantics<subcore_parallel>], iteration_bounds = array<i64: 2, 16>, scalar_prefetch = 0 : i64, scratch_operands = 14 : i64, tpu.core_type = #tpu.core_type<sc_vector_subcore>, window_params = [{transform_indices = #map}, {transform_indices = #map1}, {transform_indices = #map}]} {
    %mul3A = arith.constant 2 : i32
    %mul3A_0 = arith.muli %arg1, %mul3A : i32
    %add3A = arith.addi %mul3A_0, %arg0 : i32
    %mul3A_1 = arith.constant 25600 : i32
    %mul3A_2 = arith.muli %add3A, %mul3A_1 : i32
    "tpu.region"() ({
      %run_scoped3A = tpu.sem_alloc : memref<!tpu.dma_semaphore, #tpu.memory_space<semaphore_mem>>
      %dma_start3A_421 = arith.constant 0 : i32
      %dma_start3A_422 = arith.constant 0 : i32
      %dma_start3A_423 = tpu.memref_slice %arg3[%add3A, %dma_start3A_421, %dma_start3A_422] : memref<32x200x128xi32, #tpu.memory_space<hbm>> -> memref<1x200x128xi32, #tpu.memory_space<hbm>>
      %dma_start3A_424 = tpu.memref_squeeze %dma_start3A_423 : memref<1x200x128xi32, #tpu.memory_space<hbm>> -> memref<200x128xi32, #tpu.memory_space<hbm>>
      %dma_start3A_425 = arith.constant 0 : i32
      %dma_start3A_426 = arith.constant 0 : i32
      %dma_start3A_427 = tpu.memref_slice %arg3[%add3A, %dma_start3A_425, %dma_start3A_426] : memref<32x200x128xi32, #tpu.memory_space<hbm>> -> memref<1x200x128xi32, #tpu.memory_space<hbm>>
      %dma_start3A_428 = tpu.memref_squeeze %dma_start3A_427 : memref<1x200x128xi32, #tpu.memory_space<hbm>> -> memref<200x128xi32, #tpu.memory_space<hbm>>
      tpu.enqueue_dma source(%dma_start3A_428 : memref<200x128xi32, #tpu.memory_space<hbm>>) target(%arg5 : memref<200x128xi32, #tpu.memory_space<vmem>>) target_semaphore(%run_scoped3A : memref<!tpu.dma_semaphore, #tpu.memory_space<semaphore_mem>>)
      %dma_wait3A_429 = arith.constant 0 : i32
      %dma_wait3A_430 = arith.constant 0 : i32
      %dma_wait3A_431 = tpu.memref_slice %arg3[%add3A, %dma_wait3A_429, %dma_wait3A_430] : memref<32x200x128xi32, #tpu.memory_space<hbm>> -> memref<1x200x128xi32, #tpu.memory_space<hbm>>
      %dma_wait3A_432 = tpu.memref_squeeze %dma_wait3A_431 : memref<1x200x128xi32, #tpu.memory_space<hbm>> -> memref<200x128xi32, #tpu.memory_space<hbm>>
      %dma_wait3A_433 = arith.constant 0 : i32
      %dma_wait3A_434 = arith.constant 0 : i32
      %dma_wait3A_435 = tpu.memref_slice %arg3[%add3A, %dma_wait3A_433, %dma_wait3A_434] : memref<32x200x128xi32, #tpu.memory_space<hbm>> -> memref<1x200x128xi32, #tpu.memory_space<hbm>>
      %dma_wait3A_436 = tpu.memref_squeeze %dma_wait3A_435 : memref<1x200x128xi32, #tpu.memory_space<hbm>> -> memref<200x128xi32, #tpu.memory_space<hbm>>
      tpu.wait_dma2 semaphore(%run_scoped3A : memref<!tpu.dma_semaphore, #tpu.memory_space<semaphore_mem>>) src(%dma_wait3A_436 : memref<200x128xi32, #tpu.memory_space<hbm>>) dst(%arg5 : memref<200x128xi32, #tpu.memory_space<vmem>>)
      tpu.yield
    }) : () -> ()
    %dma_start3A = arith.constant 0 : i32
    %dma_start3A_3 = arith.constant 0 : i32
    %dma_start3A_4 = arith.constant 0 : i32
    %dma_start3A_5 = arith.constant 0 : i32
    %dma_start3A_6 = tpu.memref_slice %arg6[%dma_start3A_3, %dma_start3A_4, %dma_start3A_5] : memref<6x128x128xf32, #tpu.memory_space<vmem>> -> memref<1x128x128xf32, #tpu.memory_space<vmem>>
    %dma_start3A_7 = tpu.memref_squeeze %dma_start3A_6 : memref<1x128x128xf32, #tpu.memory_space<vmem>> -> memref<128x128xf32, #tpu.memory_space<vmem>>
    %dma_start3A_8 = arith.constant 0 : i32
    %dma_start3A_9 = tpu.memref_slice %arg5[%dma_start3A, %dma_start3A_8] : memref<200x128xi32, #tpu.memory_space<vmem>> -> memref<1x128xi32, #tpu.memory_space<vmem>>
    %dma_start3A_10 = tpu.memref_squeeze %dma_start3A_9 : memref<1x128xi32, #tpu.memory_space<vmem>> -> memref<128xi32, #tpu.memory_space<vmem>>
    %dma_start3A_11 = arith.constant 0 : i32
    %dma_start3A_12 = arith.constant 0 : i32
    %dma_start3A_13 = tpu.memref_slice %arg2[%dma_start3A_11, %dma_start3A_12] : memref<100000x128xf32, #tpu.memory_space<hbm>> -> memref<100000x128xf32, #tpu.memory_space<hbm>>
    tpu.enqueue_indirect_dma source(%dma_start3A_13 : memref<100000x128xf32, #tpu.memory_space<hbm>>) target(%dma_start3A_7 : memref<128x128xf32, #tpu.memory_space<vmem>>) offsets(%dma_start3A_10 : memref<128xi32, #tpu.memory_space<vmem>>) semaphore(%arg7 : memref<!tpu.dma_semaphore, #tpu.memory_space<semaphore_mem>>)
    %dma_start3A_14 = arith.constant 1 : i32
    %dma_start3A_15 = arith.constant 1 : i32
    %dma_start3A_16 = arith.constant 0 : i32
    %dma_start3A_17 = arith.constant 0 : i32
    %dma_start3A_18 = tpu.memref_slice %arg6[%dma_start3A_15, %dma_start3A_16, %dma_start3A_17] : memref<6x128x128xf32, #tpu.memory_space<vmem>> -> memref<1x128x128xf32, #tpu.memory_space<vmem>>
    %dma_start3A_19 = tpu.memref_squeeze %dma_start3A_18 : memref<1x128x128xf32, #tpu.memory_space<vmem>> -> memref<128x128xf32, #tpu.memory_space<vmem>>
    %dma_start3A_20 = arith.constant 0 : i32
    %dma_start3A_21 = tpu.memref_slice %arg5[%dma_start3A_14, %dma_start3A_20] : memref<200x128xi32, #tpu.memory_space<vmem>> -> memref<1x128xi32, #tpu.memory_space<vmem>>
    %dma_start3A_22 = tpu.memref_squeeze %dma_start3A_21 : memref<1x128xi32, #tpu.memory_space<vmem>> -> memref<128xi32, #tpu.memory_space<vmem>>
    %dma_start3A_23 = arith.constant 0 : i32
    %dma_start3A_24 = arith.constant 0 : i32
    %dma_start3A_25 = tpu.memref_slice %arg2[%dma_start3A_23, %dma_start3A_24] : memref<100000x128xf32, #tpu.memory_space<hbm>> -> memref<100000x128xf32, #tpu.memory_space<hbm>>
    tpu.enqueue_indirect_dma source(%dma_start3A_25 : memref<100000x128xf32, #tpu.memory_space<hbm>>) target(%dma_start3A_19 : memref<128x128xf32, #tpu.memory_space<vmem>>) offsets(%dma_start3A_22 : memref<128xi32, #tpu.memory_space<vmem>>) semaphore(%arg8 : memref<!tpu.dma_semaphore, #tpu.memory_space<semaphore_mem>>)
    %dma_start3A_26 = arith.constant 2 : i32
    %dma_start3A_27 = arith.constant 2 : i32
    %dma_start3A_28 = arith.constant 0 : i32
    %dma_start3A_29 = arith.constant 0 : i32
    %dma_start3A_30 = tpu.memref_slice %arg6[%dma_start3A_27, %dma_start3A_28, %dma_start3A_29] : memref<6x128x128xf32, #tpu.memory_space<vmem>> -> memref<1x128x128xf32, #tpu.memory_space<vmem>>
    %dma_start3A_31 = tpu.memref_squeeze %dma_start3A_30 : memref<1x128x128xf32, #tpu.memory_space<vmem>> -> memref<128x128xf32, #tpu.memory_space<vmem>>
    %dma_start3A_32 = arith.constant 0 : i32
    %dma_start3A_33 = tpu.memref_slice %arg5[%dma_start3A_26, %dma_start3A_32] : memref<200x128xi32, #tpu.memory_space<vmem>> -> memref<1x128xi32, #tpu.memory_space<vmem>>
    %dma_start3A_34 = tpu.memref_squeeze %dma_start3A_33 : memref<1x128xi32, #tpu.memory_space<vmem>> -> memref<128xi32, #tpu.memory_space<vmem>>
    %dma_start3A_35 = arith.constant 0 : i32
    %dma_start3A_36 = arith.constant 0 : i32
    %dma_start3A_37 = tpu.memref_slice %arg2[%dma_start3A_35, %dma_start3A_36] : memref<100000x128xf32, #tpu.memory_space<hbm>> -> memref<100000x128xf32, #tpu.memory_space<hbm>>
    tpu.enqueue_indirect_dma source(%dma_start3A_37 : memref<100000x128xf32, #tpu.memory_space<hbm>>) target(%dma_start3A_31 : memref<128x128xf32, #tpu.memory_space<vmem>>) offsets(%dma_start3A_34 : memref<128xi32, #tpu.memory_space<vmem>>) semaphore(%arg9 : memref<!tpu.dma_semaphore, #tpu.memory_space<semaphore_mem>>)
    %dma_start3A_38 = arith.constant 3 : i32
    %dma_start3A_39 = arith.constant 3 : i32
    %dma_start3A_40 = arith.constant 0 : i32
    %dma_start3A_41 = arith.constant 0 : i32
    %dma_start3A_42 = tpu.memref_slice %arg6[%dma_start3A_39, %dma_start3A_40, %dma_start3A_41] : memref<6x128x128xf32, #tpu.memory_space<vmem>> -> memref<1x128x128xf32, #tpu.memory_space<vmem>>
    %dma_start3A_43 = tpu.memref_squeeze %dma_start3A_42 : memref<1x128x128xf32, #tpu.memory_space<vmem>> -> memref<128x128xf32, #tpu.memory_space<vmem>>
    %dma_start3A_44 = arith.constant 0 : i32
    %dma_start3A_45 = tpu.memref_slice %arg5[%dma_start3A_38, %dma_start3A_44] : memref<200x128xi32, #tpu.memory_space<vmem>> -> memref<1x128xi32, #tpu.memory_space<vmem>>
    %dma_start3A_46 = tpu.memref_squeeze %dma_start3A_45 : memref<1x128xi32, #tpu.memory_space<vmem>> -> memref<128xi32, #tpu.memory_space<vmem>>
    %dma_start3A_47 = arith.constant 0 : i32
    %dma_start3A_48 = arith.constant 0 : i32
    %dma_start3A_49 = tpu.memref_slice %arg2[%dma_start3A_47, %dma_start3A_48] : memref<100000x128xf32, #tpu.memory_space<hbm>> -> memref<100000x128xf32, #tpu.memory_space<hbm>>
    tpu.enqueue_indirect_dma source(%dma_start3A_49 : memref<100000x128xf32, #tpu.memory_space<hbm>>) target(%dma_start3A_43 : memref<128x128xf32, #tpu.memory_space<vmem>>) offsets(%dma_start3A_46 : memref<128xi32, #tpu.memory_space<vmem>>) semaphore(%arg10 : memref<!tpu.dma_semaphore, #tpu.memory_space<semaphore_mem>>)
    %dma_start3A_50 = arith.constant 4 : i32
    %dma_start3A_51 = arith.constant 4 : i32
    %dma_start3A_52 = arith.constant 0 : i32
    %dma_start3A_53 = arith.constant 0 : i32
    %dma_start3A_54 = tpu.memref_slice %arg6[%dma_start3A_51, %dma_start3A_52, %dma_start3A_53] : memref<6x128x128xf32, #tpu.memory_space<vmem>> -> memref<1x128x128xf32, #tpu.memory_space<vmem>>
    %dma_start3A_55 = tpu.memref_squeeze %dma_start3A_54 : memref<1x128x128xf32, #tpu.memory_space<vmem>> -> memref<128x128xf32, #tpu.memory_space<vmem>>
    %dma_start3A_56 = arith.constant 0 : i32
    %dma_start3A_57 = tpu.memref_slice %arg5[%dma_start3A_50, %dma_start3A_56] : memref<200x128xi32, #tpu.memory_space<vmem>> -> memref<1x128xi32, #tpu.memory_space<vmem>>
    %dma_start3A_58 = tpu.memref_squeeze %dma_start3A_57 : memref<1x128xi32, #tpu.memory_space<vmem>> -> memref<128xi32, #tpu.memory_space<vmem>>
    %dma_start3A_59 = arith.constant 0 : i32
    %dma_start3A_60 = arith.constant 0 : i32
    %dma_start3A_61 = tpu.memref_slice %arg2[%dma_start3A_59, %dma_start3A_60] : memref<100000x128xf32, #tpu.memory_space<hbm>> -> memref<100000x128xf32, #tpu.memory_space<hbm>>
    tpu.enqueue_indirect_dma source(%dma_start3A_61 : memref<100000x128xf32, #tpu.memory_space<hbm>>) target(%dma_start3A_55 : memref<128x128xf32, #tpu.memory_space<vmem>>) offsets(%dma_start3A_58 : memref<128xi32, #tpu.memory_space<vmem>>) semaphore(%arg11 : memref<!tpu.dma_semaphore, #tpu.memory_space<semaphore_mem>>)
    %dma_start3A_62 = arith.constant 5 : i32
    %dma_start3A_63 = arith.constant 5 : i32
    %dma_start3A_64 = arith.constant 0 : i32
    %dma_start3A_65 = arith.constant 0 : i32
    %dma_start3A_66 = tpu.memref_slice %arg6[%dma_start3A_63, %dma_start3A_64, %dma_start3A_65] : memref<6x128x128xf32, #tpu.memory_space<vmem>> -> memref<1x128x128xf32, #tpu.memory_space<vmem>>
    %dma_start3A_67 = tpu.memref_squeeze %dma_start3A_66 : memref<1x128x128xf32, #tpu.memory_space<vmem>> -> memref<128x128xf32, #tpu.memory_space<vmem>>
    %dma_start3A_68 = arith.constant 0 : i32
    %dma_start3A_69 = tpu.memref_slice %arg5[%dma_start3A_62, %dma_start3A_68] : memref<200x128xi32, #tpu.memory_space<vmem>> -> memref<1x128xi32, #tpu.memory_space<vmem>>
    %dma_start3A_70 = tpu.memref_squeeze %dma_start3A_69 : memref<1x128xi32, #tpu.memory_space<vmem>> -> memref<128xi32, #tpu.memory_space<vmem>>
    %dma_start3A_71 = arith.constant 0 : i32
    %dma_start3A_72 = arith.constant 0 : i32
    %dma_start3A_73 = tpu.memref_slice %arg2[%dma_start3A_71, %dma_start3A_72] : memref<100000x128xf32, #tpu.memory_space<hbm>> -> memref<100000x128xf32, #tpu.memory_space<hbm>>
    tpu.enqueue_indirect_dma source(%dma_start3A_73 : memref<100000x128xf32, #tpu.memory_space<hbm>>) target(%dma_start3A_67 : memref<128x128xf32, #tpu.memory_space<vmem>>) offsets(%dma_start3A_70 : memref<128xi32, #tpu.memory_space<vmem>>) semaphore(%arg12 : memref<!tpu.dma_semaphore, #tpu.memory_space<semaphore_mem>>)
    %dma_wait3A = arith.constant 0 : i32
    %dma_wait3A_74 = arith.constant 0 : i32
    %dma_wait3A_75 = arith.constant 0 : i32
    %dma_wait3A_76 = arith.constant 0 : i32
    %dma_wait3A_77 = tpu.memref_slice %arg6[%dma_wait3A_74, %dma_wait3A_75, %dma_wait3A_76] : memref<6x128x128xf32, #tpu.memory_space<vmem>> -> memref<1x128x128xf32, #tpu.memory_space<vmem>>
    %dma_wait3A_78 = tpu.memref_squeeze %dma_wait3A_77 : memref<1x128x128xf32, #tpu.memory_space<vmem>> -> memref<128x128xf32, #tpu.memory_space<vmem>>
    %dma_wait3A_79 = arith.constant 0 : i32
    %dma_wait3A_80 = tpu.memref_slice %arg5[%dma_wait3A, %dma_wait3A_79] : memref<200x128xi32, #tpu.memory_space<vmem>> -> memref<1x128xi32, #tpu.memory_space<vmem>>
    %dma_wait3A_81 = tpu.memref_squeeze %dma_wait3A_80 : memref<1x128xi32, #tpu.memory_space<vmem>> -> memref<128xi32, #tpu.memory_space<vmem>>
    %dma_wait3A_82 = arith.constant 0 : i32
    %dma_wait3A_83 = arith.constant 0 : i32
    %dma_wait3A_84 = tpu.memref_slice %arg2[%dma_wait3A_82, %dma_wait3A_83] : memref<100000x128xf32, #tpu.memory_space<hbm>> -> memref<100000x128xf32, #tpu.memory_space<hbm>>
    tpu.wait_indirect_dma semaphore(%arg7 : memref<!tpu.dma_semaphore, #tpu.memory_space<semaphore_mem>>) src(%dma_wait3A_84 : memref<100000x128xf32, #tpu.memory_space<hbm>>) dst(%dma_wait3A_78 : memref<128x128xf32, #tpu.memory_space<vmem>>)
    %add3A_85 = arith.constant 0 : i32
    %add3A_86 = arith.addi %mul3A_2, %add3A_85 : i32
    %dma_start3A_87 = arith.constant 0 : i32
    %dma_start3A_88 = arith.constant 0 : i32
    %dma_start3A_89 = arith.constant 0 : i32
    %dma_start3A_90 = tpu.memref_slice %arg6[%dma_start3A_87, %dma_start3A_88, %dma_start3A_89] : memref<6x128x128xf32, #tpu.memory_space<vmem>> -> memref<1x128x128xf32, #tpu.memory_space<vmem>>
    %dma_start3A_91 = tpu.memref_squeeze %dma_start3A_90 : memref<1x128x128xf32, #tpu.memory_space<vmem>> -> memref<128x128xf32, #tpu.memory_space<vmem>>
    %dma_start3A_92 = arith.constant 0 : i32
    %dma_start3A_93 = tpu.memref_slice %arg4[%add3A_86, %dma_start3A_92] : memref<819200x128xf32, #tpu.memory_space<hbm>> -> memref<128x128xf32, #tpu.memory_space<hbm>>
    %dma_start3A_94 = arith.constant 0 : i32
    %dma_start3A_95 = tpu.memref_slice %arg4[%add3A_86, %dma_start3A_94] : memref<819200x128xf32, #tpu.memory_space<hbm>> -> memref<128x128xf32, #tpu.memory_space<hbm>>
    %dma_start3A_96 = arith.constant 0 : i32
    %dma_start3A_97 = arith.constant 0 : i32
    %dma_start3A_98 = tpu.memref_slice %arg6[%dma_start3A_87, %dma_start3A_96, %dma_start3A_97] : memref<6x128x128xf32, #tpu.memory_space<vmem>> -> memref<1x128x128xf32, #tpu.memory_space<vmem>>
    %dma_start3A_99 = tpu.memref_squeeze %dma_start3A_98 : memref<1x128x128xf32, #tpu.memory_space<vmem>> -> memref<128x128xf32, #tpu.memory_space<vmem>>
    tpu.enqueue_dma source(%dma_start3A_99 : memref<128x128xf32, #tpu.memory_space<vmem>>) target(%dma_start3A_95 : memref<128x128xf32, #tpu.memory_space<hbm>>) target_semaphore(%arg13 : memref<!tpu.dma_semaphore, #tpu.memory_space<semaphore_mem>>)
    %scan3A = arith.constant 0 : i32
    %scan3A_100 = arith.constant 32 : i32
    %scan3A_101 = arith.addi %scan3A, %scan3A_100 : i32
    %scan3A_102 = arith.constant 1 : i32
    scf.for %scan3A_421 = %scan3A to %scan3A_101 step %scan3A_102  : i32 {
      %mul3A_422 = arith.constant 6 : i32
      %mul3A_423 = arith.muli %scan3A_421, %mul3A_422 : i32
      %add3A_424 = arith.constant 6 : i32
      %add3A_425 = arith.addi %add3A_424, %mul3A_423 : i32
      %add3A_426 = arith.constant 0 : i32
      %add3A_427 = arith.addi %add3A_425, %add3A_426 : i32
      %dma_wait3A_428 = arith.constant 0 : i32
      %dma_wait3A_429 = arith.constant 0 : i32
      %dma_wait3A_430 = arith.constant 0 : i32
      %dma_wait3A_431 = tpu.memref_slice %arg6[%dma_wait3A_428, %dma_wait3A_429, %dma_wait3A_430] : memref<6x128x128xf32, #tpu.memory_space<vmem>> -> memref<1x128x128xf32, #tpu.memory_space<vmem>>
      %dma_wait3A_432 = tpu.memref_squeeze %dma_wait3A_431 : memref<1x128x128xf32, #tpu.memory_space<vmem>> -> memref<128x128xf32, #tpu.memory_space<vmem>>
      %dma_wait3A_433 = arith.constant 0 : i32
      %dma_wait3A_434 = tpu.memref_slice %arg4[%mul3A_2, %dma_wait3A_433] : memref<819200x128xf32, #tpu.memory_space<hbm>> -> memref<128x128xf32, #tpu.memory_space<hbm>>
      %dma_wait3A_435 = arith.constant 0 : i32
      %dma_wait3A_436 = tpu.memref_slice %arg4[%mul3A_2, %dma_wait3A_435] : memref<819200x128xf32, #tpu.memory_space<hbm>> -> memref<128x128xf32, #tpu.memory_space<hbm>>
      %dma_wait3A_437 = arith.constant 0 : i32
      %dma_wait3A_438 = arith.constant 0 : i32
      %dma_wait3A_439 = tpu.memref_slice %arg6[%dma_wait3A_428, %dma_wait3A_437, %dma_wait3A_438] : memref<6x128x128xf32, #tpu.memory_space<vmem>> -> memref<1x128x128xf32, #tpu.memory_space<vmem>>
      %dma_wait3A_440 = tpu.memref_squeeze %dma_wait3A_439 : memref<1x128x128xf32, #tpu.memory_space<vmem>> -> memref<128x128xf32, #tpu.memory_space<vmem>>
      tpu.wait_dma2 semaphore(%arg13 : memref<!tpu.dma_semaphore, #tpu.memory_space<semaphore_mem>>) src(%dma_wait3A_440 : memref<128x128xf32, #tpu.memory_space<vmem>>) dst(%dma_wait3A_436 : memref<128x128xf32, #tpu.memory_space<hbm>>)
      %dma_start3A_441 = arith.constant 0 : i32
      %dma_start3A_442 = arith.constant 0 : i32
      %dma_start3A_443 = arith.constant 0 : i32
      %dma_start3A_444 = tpu.memref_slice %arg6[%dma_start3A_441, %dma_start3A_442, %dma_start3A_443] : memref<6x128x128xf32, #tpu.memory_space<vmem>> -> memref<1x128x128xf32, #tpu.memory_space<vmem>>
      %dma_start3A_445 = tpu.memref_squeeze %dma_start3A_444 : memref<1x128x128xf32, #tpu.memory_space<vmem>> -> memref<128x128xf32, #tpu.memory_space<vmem>>
      %dma_start3A_446 = arith.constant 0 : i32
      %dma_start3A_447 = tpu.memref_slice %arg5[%add3A_427, %dma_start3A_446] : memref<200x128xi32, #tpu.memory_space<vmem>> -> memref<1x128xi32, #tpu.memory_space<vmem>>
      %dma_start3A_448 = tpu.memref_squeeze %dma_start3A_447 : memref<1x128xi32, #tpu.memory_space<vmem>> -> memref<128xi32, #tpu.memory_space<vmem>>
      %dma_start3A_449 = arith.constant 0 : i32
      %dma_start3A_450 = arith.constant 0 : i32
      %dma_start3A_451 = tpu.memref_slice %arg2[%dma_start3A_449, %dma_start3A_450] : memref<100000x128xf32, #tpu.memory_space<hbm>> -> memref<100000x128xf32, #tpu.memory_space<hbm>>
      tpu.enqueue_indirect_dma source(%dma_start3A_451 : memref<100000x128xf32, #tpu.memory_space<hbm>>) target(%dma_start3A_445 : memref<128x128xf32, #tpu.memory_space<vmem>>) offsets(%dma_start3A_448 : memref<128xi32, #tpu.memory_space<vmem>>) semaphore(%arg7 : memref<!tpu.dma_semaphore, #tpu.memory_space<semaphore_mem>>)
      %dma_wait3A_452 = arith.constant 0 : i32
      %dma_wait3A_453 = arith.constant 1 : i32
      %dma_wait3A_454 = arith.constant 0 : i32
      %dma_wait3A_455 = arith.constant 0 : i32
      %dma_wait3A_456 = tpu.memref_slice %arg6[%dma_wait3A_453, %dma_wait3A_454, %dma_wait3A_455] : memref<6x128x128xf32, #tpu.memory_space<vmem>> -> memref<1x128x128xf32, #tpu.memory_space<vmem>>
      %dma_wait3A_457 = tpu.memref_squeeze %dma_wait3A_456 : memref<1x128x128xf32, #tpu.memory_space<vmem>> -> memref<128x128xf32, #tpu.memory_space<vmem>>
      %dma_wait3A_458 = arith.constant 0 : i32
      %dma_wait3A_459 = tpu.memref_slice %arg5[%dma_wait3A_452, %dma_wait3A_458] : memref<200x128xi32, #tpu.memory_space<vmem>> -> memref<1x128xi32, #tpu.memory_space<vmem>>
      %dma_wait3A_460 = tpu.memref_squeeze %dma_wait3A_459 : memref<1x128xi32, #tpu.memory_space<vmem>> -> memref<128xi32, #tpu.memory_space<vmem>>
      %dma_wait3A_461 = arith.constant 0 : i32
      %dma_wait3A_462 = arith.constant 0 : i32
      %dma_wait3A_463 = tpu.memref_slice %arg2[%dma_wait3A_461, %dma_wait3A_462] : memref<100000x128xf32, #tpu.memory_space<hbm>> -> memref<100000x128xf32, #tpu.memory_space<hbm>>
      tpu.wait_indirect_dma semaphore(%arg8 : memref<!tpu.dma_semaphore, #tpu.memory_space<semaphore_mem>>) src(%dma_wait3A_463 : memref<100000x128xf32, #tpu.memory_space<hbm>>) dst(%dma_wait3A_457 : memref<128x128xf32, #tpu.memory_space<vmem>>)
      %sub3A = arith.constant 5 : i32
      %sub3A_464 = arith.subi %add3A_427, %sub3A : i32
      %mul3A_465 = arith.constant 128 : i32
      %mul3A_466 = arith.muli %sub3A_464, %mul3A_465 : i32
      %add3A_467 = arith.addi %mul3A_2, %mul3A_466 : i32
      %dma_start3A_468 = arith.constant 1 : i32
      %dma_start3A_469 = arith.constant 0 : i32
      %dma_start3A_470 = arith.constant 0 : i32
      %dma_start3A_471 = tpu.memref_slice %arg6[%dma_start3A_468, %dma_start3A_469, %dma_start3A_470] : memref<6x128x128xf32, #tpu.memory_space<vmem>> -> memref<1x128x128xf32, #tpu.memory_space<vmem>>
      %dma_start3A_472 = tpu.memref_squeeze %dma_start3A_471 : memref<1x128x128xf32, #tpu.memory_space<vmem>> -> memref<128x128xf32, #tpu.memory_space<vmem>>
      %dma_start3A_473 = arith.constant 0 : i32
      %dma_start3A_474 = tpu.memref_slice %arg4[%add3A_467, %dma_start3A_473] : memref<819200x128xf32, #tpu.memory_space<hbm>> -> memref<128x128xf32, #tpu.memory_space<hbm>>
      %dma_start3A_475 = arith.constant 0 : i32
      %dma_start3A_476 = tpu.memref_slice %arg4[%add3A_467, %dma_start3A_475] : memref<819200x128xf32, #tpu.memory_space<hbm>> -> memref<128x128xf32, #tpu.memory_space<hbm>>
      %dma_start3A_477 = arith.constant 0 : i32
      %dma_start3A_478 = arith.constant 0 : i32
      %dma_start3A_479 = tpu.memref_slice %arg6[%dma_start3A_468, %dma_start3A_477, %dma_start3A_478] : memref<6x128x128xf32, #tpu.memory_space<vmem>> -> memref<1x128x128xf32, #tpu.memory_space<vmem>>
      %dma_start3A_480 = tpu.memref_squeeze %dma_start3A_479 : memref<1x128x128xf32, #tpu.memory_space<vmem>> -> memref<128x128xf32, #tpu.memory_space<vmem>>
      tpu.enqueue_dma source(%dma_start3A_480 : memref<128x128xf32, #tpu.memory_space<vmem>>) target(%dma_start3A_476 : memref<128x128xf32, #tpu.memory_space<hbm>>) target_semaphore(%arg14 : memref<!tpu.dma_semaphore, #tpu.memory_space<semaphore_mem>>)
      %add3A_481 = arith.constant 1 : i32
      %add3A_482 = arith.addi %add3A_425, %add3A_481 : i32
      %dma_wait3A_483 = arith.constant 1 : i32
      %dma_wait3A_484 = arith.constant 0 : i32
      %dma_wait3A_485 = arith.constant 0 : i32
      %dma_wait3A_486 = tpu.memref_slice %arg6[%dma_wait3A_483, %dma_wait3A_484, %dma_wait3A_485] : memref<6x128x128xf32, #tpu.memory_space<vmem>> -> memref<1x128x128xf32, #tpu.memory_space<vmem>>
      %dma_wait3A_487 = tpu.memref_squeeze %dma_wait3A_486 : memref<1x128x128xf32, #tpu.memory_space<vmem>> -> memref<128x128xf32, #tpu.memory_space<vmem>>
      %dma_wait3A_488 = arith.constant 0 : i32
      %dma_wait3A_489 = tpu.memref_slice %arg4[%mul3A_2, %dma_wait3A_488] : memref<819200x128xf32, #tpu.memory_space<hbm>> -> memref<128x128xf32, #tpu.memory_space<hbm>>
      %dma_wait3A_490 = arith.constant 0 : i32
      %dma_wait3A_491 = tpu.memref_slice %arg4[%mul3A_2, %dma_wait3A_490] : memref<819200x128xf32, #tpu.memory_space<hbm>> -> memref<128x128xf32, #tpu.memory_space<hbm>>
      %dma_wait3A_492 = arith.constant 0 : i32
      %dma_wait3A_493 = arith.constant 0 : i32
      %dma_wait3A_494 = tpu.memref_slice %arg6[%dma_wait3A_483, %dma_wait3A_492, %dma_wait3A_493] : memref<6x128x128xf32, #tpu.memory_space<vmem>> -> memref<1x128x128xf32, #tpu.memory_space<vmem>>
      %dma_wait3A_495 = tpu.memref_squeeze %dma_wait3A_494 : memref<1x128x128xf32, #tpu.memory_space<vmem>> -> memref<128x128xf32, #tpu.memory_space<vmem>>
      tpu.wait_dma2 semaphore(%arg14 : memref<!tpu.dma_semaphore, #tpu.memory_space<semaphore_mem>>) src(%dma_wait3A_495 : memref<128x128xf32, #tpu.memory_space<vmem>>) dst(%dma_wait3A_491 : memref<128x128xf32, #tpu.memory_space<hbm>>)
      %dma_start3A_496 = arith.constant 1 : i32
      %dma_start3A_497 = arith.constant 0 : i32
      %dma_start3A_498 = arith.constant 0 : i32
      %dma_start3A_499 = tpu.memref_slice %arg6[%dma_start3A_496, %dma_start3A_497, %dma_start3A_498] : memref<6x128x128xf32, #tpu.memory_space<vmem>> -> memref<1x128x128xf32, #tpu.memory_space<vmem>>
      %dma_start3A_500 = tpu.memref_squeeze %dma_start3A_499 : memref<1x128x128xf32, #tpu.memory_space<vmem>> -> memref<128x128xf32, #tpu.memory_space<vmem>>
      %dma_start3A_501 = arith.constant 0 : i32
      %dma_start3A_502 = tpu.memref_slice %arg5[%add3A_482, %dma_start3A_501] : memref<200x128xi32, #tpu.memory_space<vmem>> -> memref<1x128xi32, #tpu.memory_space<vmem>>
      %dma_start3A_503 = tpu.memref_squeeze %dma_start3A_502 : memref<1x128xi32, #tpu.memory_space<vmem>> -> memref<128xi32, #tpu.memory_space<vmem>>
      %dma_start3A_504 = arith.constant 0 : i32
      %dma_start3A_505 = arith.constant 0 : i32
      %dma_start3A_506 = tpu.memref_slice %arg2[%dma_start3A_504, %dma_start3A_505] : memref<100000x128xf32, #tpu.memory_space<hbm>> -> memref<100000x128xf32, #tpu.memory_space<hbm>>
      tpu.enqueue_indirect_dma source(%dma_start3A_506 : memref<100000x128xf32, #tpu.memory_space<hbm>>) target(%dma_start3A_500 : memref<128x128xf32, #tpu.memory_space<vmem>>) offsets(%dma_start3A_503 : memref<128xi32, #tpu.memory_space<vmem>>) semaphore(%arg8 : memref<!tpu.dma_semaphore, #tpu.memory_space<semaphore_mem>>)
      %dma_wait3A_507 = arith.constant 0 : i32
      %dma_wait3A_508 = arith.constant 2 : i32
      %dma_wait3A_509 = arith.constant 0 : i32
      %dma_wait3A_510 = arith.constant 0 : i32
      %dma_wait3A_511 = tpu.memref_slice %arg6[%dma_wait3A_508, %dma_wait3A_509, %dma_wait3A_510] : memref<6x128x128xf32, #tpu.memory_space<vmem>> -> memref<1x128x128xf32, #tpu.memory_space<vmem>>
      %dma_wait3A_512 = tpu.memref_squeeze %dma_wait3A_511 : memref<1x128x128xf32, #tpu.memory_space<vmem>> -> memref<128x128xf32, #tpu.memory_space<vmem>>
      %dma_wait3A_513 = arith.constant 0 : i32
      %dma_wait3A_514 = tpu.memref_slice %arg5[%dma_wait3A_507, %dma_wait3A_513] : memref<200x128xi32, #tpu.memory_space<vmem>> -> memref<1x128xi32, #tpu.memory_space<vmem>>
      %dma_wait3A_515 = tpu.memref_squeeze %dma_wait3A_514 : memref<1x128xi32, #tpu.memory_space<vmem>> -> memref<128xi32, #tpu.memory_space<vmem>>
      %dma_wait3A_516 = arith.constant 0 : i32
      %dma_wait3A_517 = arith.constant 0 : i32
      %dma_wait3A_518 = tpu.memref_slice %arg2[%dma_wait3A_516, %dma_wait3A_517] : memref<100000x128xf32, #tpu.memory_space<hbm>> -> memref<100000x128xf32, #tpu.memory_space<hbm>>
      tpu.wait_indirect_dma semaphore(%arg9 : memref<!tpu.dma_semaphore, #tpu.memory_space<semaphore_mem>>) src(%dma_wait3A_518 : memref<100000x128xf32, #tpu.memory_space<hbm>>) dst(%dma_wait3A_512 : memref<128x128xf32, #tpu.memory_space<vmem>>)
      %sub3A_519 = arith.constant 5 : i32
      %sub3A_520 = arith.subi %add3A_482, %sub3A_519 : i32
      %mul3A_521 = arith.constant 128 : i32
      %mul3A_522 = arith.muli %sub3A_520, %mul3A_521 : i32
      %add3A_523 = arith.addi %mul3A_2, %mul3A_522 : i32
      %dma_start3A_524 = arith.constant 2 : i32
      %dma_start3A_525 = arith.constant 0 : i32
      %dma_start3A_526 = arith.constant 0 : i32
      %dma_start3A_527 = tpu.memref_slice %arg6[%dma_start3A_524, %dma_start3A_525, %dma_start3A_526] : memref<6x128x128xf32, #tpu.memory_space<vmem>> -> memref<1x128x128xf32, #tpu.memory_space<vmem>>
      %dma_start3A_528 = tpu.memref_squeeze %dma_start3A_527 : memref<1x128x128xf32, #tpu.memory_space<vmem>> -> memref<128x128xf32, #tpu.memory_space<vmem>>
      %dma_start3A_529 = arith.constant 0 : i32
      %dma_start3A_530 = tpu.memref_slice %arg4[%add3A_523, %dma_start3A_529] : memref<819200x128xf32, #tpu.memory_space<hbm>> -> memref<128x128xf32, #tpu.memory_space<hbm>>
      %dma_start3A_531 = arith.constant 0 : i32
      %dma_start3A_532 = tpu.memref_slice %arg4[%add3A_523, %dma_start3A_531] : memref<819200x128xf32, #tpu.memory_space<hbm>> -> memref<128x128xf32, #tpu.memory_space<hbm>>
      %dma_start3A_533 = arith.constant 0 : i32
      %dma_start3A_534 = arith.constant 0 : i32
      %dma_start3A_535 = tpu.memref_slice %arg6[%dma_start3A_524, %dma_start3A_533, %dma_start3A_534] : memref<6x128x128xf32, #tpu.memory_space<vmem>> -> memref<1x128x128xf32, #tpu.memory_space<vmem>>
      %dma_start3A_536 = tpu.memref_squeeze %dma_start3A_535 : memref<1x128x128xf32, #tpu.memory_space<vmem>> -> memref<128x128xf32, #tpu.memory_space<vmem>>
      tpu.enqueue_dma source(%dma_start3A_536 : memref<128x128xf32, #tpu.memory_space<vmem>>) target(%dma_start3A_532 : memref<128x128xf32, #tpu.memory_space<hbm>>) target_semaphore(%arg15 : memref<!tpu.dma_semaphore, #tpu.memory_space<semaphore_mem>>)
      %add3A_537 = arith.constant 2 : i32
      %add3A_538 = arith.addi %add3A_425, %add3A_537 : i32
      %dma_wait3A_539 = arith.constant 2 : i32
      %dma_wait3A_540 = arith.constant 0 : i32
      %dma_wait3A_541 = arith.constant 0 : i32
      %dma_wait3A_542 = tpu.memref_slice %arg6[%dma_wait3A_539, %dma_wait3A_540, %dma_wait3A_541] : memref<6x128x128xf32, #tpu.memory_space<vmem>> -> memref<1x128x128xf32, #tpu.memory_space<vmem>>
      %dma_wait3A_543 = tpu.memref_squeeze %dma_wait3A_542 : memref<1x128x128xf32, #tpu.memory_space<vmem>> -> memref<128x128xf32, #tpu.memory_space<vmem>>
      %dma_wait3A_544 = arith.constant 0 : i32
      %dma_wait3A_545 = tpu.memref_slice %arg4[%mul3A_2, %dma_wait3A_544] : memref<819200x128xf32, #tpu.memory_space<hbm>> -> memref<128x128xf32, #tpu.memory_space<hbm>>
      %dma_wait3A_546 = arith.constant 0 : i32
      %dma_wait3A_547 = tpu.memref_slice %arg4[%mul3A_2, %dma_wait3A_546] : memref<819200x128xf32, #tpu.memory_space<hbm>> -> memref<128x128xf32, #tpu.memory_space<hbm>>
      %dma_wait3A_548 = arith.constant 0 : i32
      %dma_wait3A_549 = arith.constant 0 : i32
      %dma_wait3A_550 = tpu.memref_slice %arg6[%dma_wait3A_539, %dma_wait3A_548, %dma_wait3A_549] : memref<6x128x128xf32, #tpu.memory_space<vmem>> -> memref<1x128x128xf32, #tpu.memory_space<vmem>>
      %dma_wait3A_551 = tpu.memref_squeeze %dma_wait3A_550 : memref<1x128x128xf32, #tpu.memory_space<vmem>> -> memref<128x128xf32, #tpu.memory_space<vmem>>
      tpu.wait_dma2 semaphore(%arg15 : memref<!tpu.dma_semaphore, #tpu.memory_space<semaphore_mem>>) src(%dma_wait3A_551 : memref<128x128xf32, #tpu.memory_space<vmem>>) dst(%dma_wait3A_547 : memref<128x128xf32, #tpu.memory_space<hbm>>)
      %dma_start3A_552 = arith.constant 2 : i32
      %dma_start3A_553 = arith.constant 0 : i32
      %dma_start3A_554 = arith.constant 0 : i32
      %dma_start3A_555 = tpu.memref_slice %arg6[%dma_start3A_552, %dma_start3A_553, %dma_start3A_554] : memref<6x128x128xf32, #tpu.memory_space<vmem>> -> memref<1x128x128xf32, #tpu.memory_space<vmem>>
      %dma_start3A_556 = tpu.memref_squeeze %dma_start3A_555 : memref<1x128x128xf32, #tpu.memory_space<vmem>> -> memref<128x128xf32, #tpu.memory_space<vmem>>
      %dma_start3A_557 = arith.constant 0 : i32
      %dma_start3A_558 = tpu.memref_slice %arg5[%add3A_538, %dma_start3A_557] : memref<200x128xi32, #tpu.memory_space<vmem>> -> memref<1x128xi32, #tpu.memory_space<vmem>>
      %dma_start3A_559 = tpu.memref_squeeze %dma_start3A_558 : memref<1x128xi32, #tpu.memory_space<vmem>> -> memref<128xi32, #tpu.memory_space<vmem>>
      %dma_start3A_560 = arith.constant 0 : i32
      %dma_start3A_561 = arith.constant 0 : i32
      %dma_start3A_562 = tpu.memref_slice %arg2[%dma_start3A_560, %dma_start3A_561] : memref<100000x128xf32, #tpu.memory_space<hbm>> -> memref<100000x128xf32, #tpu.memory_space<hbm>>
      tpu.enqueue_indirect_dma source(%dma_start3A_562 : memref<100000x128xf32, #tpu.memory_space<hbm>>) target(%dma_start3A_556 : memref<128x128xf32, #tpu.memory_space<vmem>>) offsets(%dma_start3A_559 : memref<128xi32, #tpu.memory_space<vmem>>) semaphore(%arg9 : memref<!tpu.dma_semaphore, #tpu.memory_space<semaphore_mem>>)
      %dma_wait3A_563 = arith.constant 0 : i32
      %dma_wait3A_564 = arith.constant 3 : i32
      %dma_wait3A_565 = arith.constant 0 : i32
      %dma_wait3A_566 = arith.constant 0 : i32
      %dma_wait3A_567 = tpu.memref_slice %arg6[%dma_wait3A_564, %dma_wait3A_565, %dma_wait3A_566] : memref<6x128x128xf32, #tpu.memory_space<vmem>> -> memref<1x128x128xf32, #tpu.memory_space<vmem>>
      %dma_wait3A_568 = tpu.memref_squeeze %dma_wait3A_567 : memref<1x128x128xf32, #tpu.memory_space<vmem>> -> memref<128x128xf32, #tpu.memory_space<vmem>>
      %dma_wait3A_569 = arith.constant 0 : i32
      %dma_wait3A_570 = tpu.memref_slice %arg5[%dma_wait3A_563, %dma_wait3A_569] : memref<200x128xi32, #tpu.memory_space<vmem>> -> memref<1x128xi32, #tpu.memory_space<vmem>>
      %dma_wait3A_571 = tpu.memref_squeeze %dma_wait3A_570 : memref<1x128xi32, #tpu.memory_space<vmem>> -> memref<128xi32, #tpu.memory_space<vmem>>
      %dma_wait3A_572 = arith.constant 0 : i32
      %dma_wait3A_573 = arith.constant 0 : i32
      %dma_wait3A_574 = tpu.memref_slice %arg2[%dma_wait3A_572, %dma_wait3A_573] : memref<100000x128xf32, #tpu.memory_space<hbm>> -> memref<100000x128xf32, #tpu.memory_space<hbm>>
      tpu.wait_indirect_dma semaphore(%arg10 : memref<!tpu.dma_semaphore, #tpu.memory_space<semaphore_mem>>) src(%dma_wait3A_574 : memref<100000x128xf32, #tpu.memory_space<hbm>>) dst(%dma_wait3A_568 : memref<128x128xf32, #tpu.memory_space<vmem>>)
      %sub3A_575 = arith.constant 5 : i32
      %sub3A_576 = arith.subi %add3A_538, %sub3A_575 : i32
      %mul3A_577 = arith.constant 128 : i32
      %mul3A_578 = arith.muli %sub3A_576, %mul3A_577 : i32
      %add3A_579 = arith.addi %mul3A_2, %mul3A_578 : i32
      %dma_start3A_580 = arith.constant 3 : i32
      %dma_start3A_581 = arith.constant 0 : i32
      %dma_start3A_582 = arith.constant 0 : i32
      %dma_start3A_583 = tpu.memref_slice %arg6[%dma_start3A_580, %dma_start3A_581, %dma_start3A_582] : memref<6x128x128xf32, #tpu.memory_space<vmem>> -> memref<1x128x128xf32, #tpu.memory_space<vmem>>
      %dma_start3A_584 = tpu.memref_squeeze %dma_start3A_583 : memref<1x128x128xf32, #tpu.memory_space<vmem>> -> memref<128x128xf32, #tpu.memory_space<vmem>>
      %dma_start3A_585 = arith.constant 0 : i32
      %dma_start3A_586 = tpu.memref_slice %arg4[%add3A_579, %dma_start3A_585] : memref<819200x128xf32, #tpu.memory_space<hbm>> -> memref<128x128xf32, #tpu.memory_space<hbm>>
      %dma_start3A_587 = arith.constant 0 : i32
      %dma_start3A_588 = tpu.memref_slice %arg4[%add3A_579, %dma_start3A_587] : memref<819200x128xf32, #tpu.memory_space<hbm>> -> memref<128x128xf32, #tpu.memory_space<hbm>>
      %dma_start3A_589 = arith.constant 0 : i32
      %dma_start3A_590 = arith.constant 0 : i32
      %dma_start3A_591 = tpu.memref_slice %arg6[%dma_start3A_580, %dma_start3A_589, %dma_start3A_590] : memref<6x128x128xf32, #tpu.memory_space<vmem>> -> memref<1x128x128xf32, #tpu.memory_space<vmem>>
      %dma_start3A_592 = tpu.memref_squeeze %dma_start3A_591 : memref<1x128x128xf32, #tpu.memory_space<vmem>> -> memref<128x128xf32, #tpu.memory_space<vmem>>
      tpu.enqueue_dma source(%dma_start3A_592 : memref<128x128xf32, #tpu.memory_space<vmem>>) target(%dma_start3A_588 : memref<128x128xf32, #tpu.memory_space<hbm>>) target_semaphore(%arg16 : memref<!tpu.dma_semaphore, #tpu.memory_space<semaphore_mem>>)
      %add3A_593 = arith.constant 3 : i32
      %add3A_594 = arith.addi %add3A_425, %add3A_593 : i32
      %dma_wait3A_595 = arith.constant 3 : i32
      %dma_wait3A_596 = arith.constant 0 : i32
      %dma_wait3A_597 = arith.constant 0 : i32
      %dma_wait3A_598 = tpu.memref_slice %arg6[%dma_wait3A_595, %dma_wait3A_596, %dma_wait3A_597] : memref<6x128x128xf32, #tpu.memory_space<vmem>> -> memref<1x128x128xf32, #tpu.memory_space<vmem>>
      %dma_wait3A_599 = tpu.memref_squeeze %dma_wait3A_598 : memref<1x128x128xf32, #tpu.memory_space<vmem>> -> memref<128x128xf32, #tpu.memory_space<vmem>>
      %dma_wait3A_600 = arith.constant 0 : i32
      %dma_wait3A_601 = tpu.memref_slice %arg4[%mul3A_2, %dma_wait3A_600] : memref<819200x128xf32, #tpu.memory_space<hbm>> -> memref<128x128xf32, #tpu.memory_space<hbm>>
      %dma_wait3A_602 = arith.constant 0 : i32
      %dma_wait3A_603 = tpu.memref_slice %arg4[%mul3A_2, %dma_wait3A_602] : memref<819200x128xf32, #tpu.memory_space<hbm>> -> memref<128x128xf32, #tpu.memory_space<hbm>>
      %dma_wait3A_604 = arith.constant 0 : i32
      %dma_wait3A_605 = arith.constant 0 : i32
      %dma_wait3A_606 = tpu.memref_slice %arg6[%dma_wait3A_595, %dma_wait3A_604, %dma_wait3A_605] : memref<6x128x128xf32, #tpu.memory_space<vmem>> -> memref<1x128x128xf32, #tpu.memory_space<vmem>>
      %dma_wait3A_607 = tpu.memref_squeeze %dma_wait3A_606 : memref<1x128x128xf32, #tpu.memory_space<vmem>> -> memref<128x128xf32, #tpu.memory_space<vmem>>
      tpu.wait_dma2 semaphore(%arg16 : memref<!tpu.dma_semaphore, #tpu.memory_space<semaphore_mem>>) src(%dma_wait3A_607 : memref<128x128xf32, #tpu.memory_space<vmem>>) dst(%dma_wait3A_603 : memref<128x128xf32, #tpu.memory_space<hbm>>)
      %dma_start3A_608 = arith.constant 3 : i32
      %dma_start3A_609 = arith.constant 0 : i32
      %dma_start3A_610 = arith.constant 0 : i32
      %dma_start3A_611 = tpu.memref_slice %arg6[%dma_start3A_608, %dma_start3A_609, %dma_start3A_610] : memref<6x128x128xf32, #tpu.memory_space<vmem>> -> memref<1x128x128xf32, #tpu.memory_space<vmem>>
      %dma_start3A_612 = tpu.memref_squeeze %dma_start3A_611 : memref<1x128x128xf32, #tpu.memory_space<vmem>> -> memref<128x128xf32, #tpu.memory_space<vmem>>
      %dma_start3A_613 = arith.constant 0 : i32
      %dma_start3A_614 = tpu.memref_slice %arg5[%add3A_594, %dma_start3A_613] : memref<200x128xi32, #tpu.memory_space<vmem>> -> memref<1x128xi32, #tpu.memory_space<vmem>>
      %dma_start3A_615 = tpu.memref_squeeze %dma_start3A_614 : memref<1x128xi32, #tpu.memory_space<vmem>> -> memref<128xi32, #tpu.memory_space<vmem>>
      %dma_start3A_616 = arith.constant 0 : i32
      %dma_start3A_617 = arith.constant 0 : i32
      %dma_start3A_618 = tpu.memref_slice %arg2[%dma_start3A_616, %dma_start3A_617] : memref<100000x128xf32, #tpu.memory_space<hbm>> -> memref<100000x128xf32, #tpu.memory_space<hbm>>
      tpu.enqueue_indirect_dma source(%dma_start3A_618 : memref<100000x128xf32, #tpu.memory_space<hbm>>) target(%dma_start3A_612 : memref<128x128xf32, #tpu.memory_space<vmem>>) offsets(%dma_start3A_615 : memref<128xi32, #tpu.memory_space<vmem>>) semaphore(%arg10 : memref<!tpu.dma_semaphore, #tpu.memory_space<semaphore_mem>>)
      %dma_wait3A_619 = arith.constant 0 : i32
      %dma_wait3A_620 = arith.constant 4 : i32
      %dma_wait3A_621 = arith.constant 0 : i32
      %dma_wait3A_622 = arith.constant 0 : i32
      %dma_wait3A_623 = tpu.memref_slice %arg6[%dma_wait3A_620, %dma_wait3A_621, %dma_wait3A_622] : memref<6x128x128xf32, #tpu.memory_space<vmem>> -> memref<1x128x128xf32, #tpu.memory_space<vmem>>
      %dma_wait3A_624 = tpu.memref_squeeze %dma_wait3A_623 : memref<1x128x128xf32, #tpu.memory_space<vmem>> -> memref<128x128xf32, #tpu.memory_space<vmem>>
      %dma_wait3A_625 = arith.constant 0 : i32
      %dma_wait3A_626 = tpu.memref_slice %arg5[%dma_wait3A_619, %dma_wait3A_625] : memref<200x128xi32, #tpu.memory_space<vmem>> -> memref<1x128xi32, #tpu.memory_space<vmem>>
      %dma_wait3A_627 = tpu.memref_squeeze %dma_wait3A_626 : memref<1x128xi32, #tpu.memory_space<vmem>> -> memref<128xi32, #tpu.memory_space<vmem>>
      %dma_wait3A_628 = arith.constant 0 : i32
      %dma_wait3A_629 = arith.constant 0 : i32
      %dma_wait3A_630 = tpu.memref_slice %arg2[%dma_wait3A_628, %dma_wait3A_629] : memref<100000x128xf32, #tpu.memory_space<hbm>> -> memref<100000x128xf32, #tpu.memory_space<hbm>>
      tpu.wait_indirect_dma semaphore(%arg11 : memref<!tpu.dma_semaphore, #tpu.memory_space<semaphore_mem>>) src(%dma_wait3A_630 : memref<100000x128xf32, #tpu.memory_space<hbm>>) dst(%dma_wait3A_624 : memref<128x128xf32, #tpu.memory_space<vmem>>)
      %sub3A_631 = arith.constant 5 : i32
      %sub3A_632 = arith.subi %add3A_594, %sub3A_631 : i32
      %mul3A_633 = arith.constant 128 : i32
      %mul3A_634 = arith.muli %sub3A_632, %mul3A_633 : i32
      %add3A_635 = arith.addi %mul3A_2, %mul3A_634 : i32
      %dma_start3A_636 = arith.constant 4 : i32
      %dma_start3A_637 = arith.constant 0 : i32
      %dma_start3A_638 = arith.constant 0 : i32
      %dma_start3A_639 = tpu.memref_slice %arg6[%dma_start3A_636, %dma_start3A_637, %dma_start3A_638] : memref<6x128x128xf32, #tpu.memory_space<vmem>> -> memref<1x128x128xf32, #tpu.memory_space<vmem>>
      %dma_start3A_640 = tpu.memref_squeeze %dma_start3A_639 : memref<1x128x128xf32, #tpu.memory_space<vmem>> -> memref<128x128xf32, #tpu.memory_space<vmem>>
      %dma_start3A_641 = arith.constant 0 : i32
      %dma_start3A_642 = tpu.memref_slice %arg4[%add3A_635, %dma_start3A_641] : memref<819200x128xf32, #tpu.memory_space<hbm>> -> memref<128x128xf32, #tpu.memory_space<hbm>>
      %dma_start3A_643 = arith.constant 0 : i32
      %dma_start3A_644 = tpu.memref_slice %arg4[%add3A_635, %dma_start3A_643] : memref<819200x128xf32, #tpu.memory_space<hbm>> -> memref<128x128xf32, #tpu.memory_space<hbm>>
      %dma_start3A_645 = arith.constant 0 : i32
      %dma_start3A_646 = arith.constant 0 : i32
      %dma_start3A_647 = tpu.memref_slice %arg6[%dma_start3A_636, %dma_start3A_645, %dma_start3A_646] : memref<6x128x128xf32, #tpu.memory_space<vmem>> -> memref<1x128x128xf32, #tpu.memory_space<vmem>>
      %dma_start3A_648 = tpu.memref_squeeze %dma_start3A_647 : memref<1x128x128xf32, #tpu.memory_space<vmem>> -> memref<128x128xf32, #tpu.memory_space<vmem>>
      tpu.enqueue_dma source(%dma_start3A_648 : memref<128x128xf32, #tpu.memory_space<vmem>>) target(%dma_start3A_644 : memref<128x128xf32, #tpu.memory_space<hbm>>) target_semaphore(%arg17 : memref<!tpu.dma_semaphore, #tpu.memory_space<semaphore_mem>>)
      %add3A_649 = arith.constant 4 : i32
      %add3A_650 = arith.addi %add3A_425, %add3A_649 : i32
      %dma_wait3A_651 = arith.constant 4 : i32
      %dma_wait3A_652 = arith.constant 0 : i32
      %dma_wait3A_653 = arith.constant 0 : i32
      %dma_wait3A_654 = tpu.memref_slice %arg6[%dma_wait3A_651, %dma_wait3A_652, %dma_wait3A_653] : memref<6x128x128xf32, #tpu.memory_space<vmem>> -> memref<1x128x128xf32, #tpu.memory_space<vmem>>
      %dma_wait3A_655 = tpu.memref_squeeze %dma_wait3A_654 : memref<1x128x128xf32, #tpu.memory_space<vmem>> -> memref<128x128xf32, #tpu.memory_space<vmem>>
      %dma_wait3A_656 = arith.constant 0 : i32
      %dma_wait3A_657 = tpu.memref_slice %arg4[%mul3A_2, %dma_wait3A_656] : memref<819200x128xf32, #tpu.memory_space<hbm>> -> memref<128x128xf32, #tpu.memory_space<hbm>>
      %dma_wait3A_658 = arith.constant 0 : i32
      %dma_wait3A_659 = tpu.memref_slice %arg4[%mul3A_2, %dma_wait3A_658] : memref<819200x128xf32, #tpu.memory_space<hbm>> -> memref<128x128xf32, #tpu.memory_space<hbm>>
      %dma_wait3A_660 = arith.constant 0 : i32
      %dma_wait3A_661 = arith.constant 0 : i32
      %dma_wait3A_662 = tpu.memref_slice %arg6[%dma_wait3A_651, %dma_wait3A_660, %dma_wait3A_661] : memref<6x128x128xf32, #tpu.memory_space<vmem>> -> memref<1x128x128xf32, #tpu.memory_space<vmem>>
      %dma_wait3A_663 = tpu.memref_squeeze %dma_wait3A_662 : memref<1x128x128xf32, #tpu.memory_space<vmem>> -> memref<128x128xf32, #tpu.memory_space<vmem>>
      tpu.wait_dma2 semaphore(%arg17 : memref<!tpu.dma_semaphore, #tpu.memory_space<semaphore_mem>>) src(%dma_wait3A_663 : memref<128x128xf32, #tpu.memory_space<vmem>>) dst(%dma_wait3A_659 : memref<128x128xf32, #tpu.memory_space<hbm>>)
      %dma_start3A_664 = arith.constant 4 : i32
      %dma_start3A_665 = arith.constant 0 : i32
      %dma_start3A_666 = arith.constant 0 : i32
      %dma_start3A_667 = tpu.memref_slice %arg6[%dma_start3A_664, %dma_start3A_665, %dma_start3A_666] : memref<6x128x128xf32, #tpu.memory_space<vmem>> -> memref<1x128x128xf32, #tpu.memory_space<vmem>>
      %dma_start3A_668 = tpu.memref_squeeze %dma_start3A_667 : memref<1x128x128xf32, #tpu.memory_space<vmem>> -> memref<128x128xf32, #tpu.memory_space<vmem>>
      %dma_start3A_669 = arith.constant 0 : i32
      %dma_start3A_670 = tpu.memref_slice %arg5[%add3A_650, %dma_start3A_669] : memref<200x128xi32, #tpu.memory_space<vmem>> -> memref<1x128xi32, #tpu.memory_space<vmem>>
      %dma_start3A_671 = tpu.memref_squeeze %dma_start3A_670 : memref<1x128xi32, #tpu.memory_space<vmem>> -> memref<128xi32, #tpu.memory_space<vmem>>
      %dma_start3A_672 = arith.constant 0 : i32
      %dma_start3A_673 = arith.constant 0 : i32
      %dma_start3A_674 = tpu.memref_slice %arg2[%dma_start3A_672, %dma_start3A_673] : memref<100000x128xf32, #tpu.memory_space<hbm>> -> memref<100000x128xf32, #tpu.memory_space<hbm>>
      tpu.enqueue_indirect_dma source(%dma_start3A_674 : memref<100000x128xf32, #tpu.memory_space<hbm>>) target(%dma_start3A_668 : memref<128x128xf32, #tpu.memory_space<vmem>>) offsets(%dma_start3A_671 : memref<128xi32, #tpu.memory_space<vmem>>) semaphore(%arg11 : memref<!tpu.dma_semaphore, #tpu.memory_space<semaphore_mem>>)
      %dma_wait3A_675 = arith.constant 0 : i32
      %dma_wait3A_676 = arith.constant 5 : i32
      %dma_wait3A_677 = arith.constant 0 : i32
      %dma_wait3A_678 = arith.constant 0 : i32
      %dma_wait3A_679 = tpu.memref_slice %arg6[%dma_wait3A_676, %dma_wait3A_677, %dma_wait3A_678] : memref<6x128x128xf32, #tpu.memory_space<vmem>> -> memref<1x128x128xf32, #tpu.memory_space<vmem>>
      %dma_wait3A_680 = tpu.memref_squeeze %dma_wait3A_679 : memref<1x128x128xf32, #tpu.memory_space<vmem>> -> memref<128x128xf32, #tpu.memory_space<vmem>>
      %dma_wait3A_681 = arith.constant 0 : i32
      %dma_wait3A_682 = tpu.memref_slice %arg5[%dma_wait3A_675, %dma_wait3A_681] : memref<200x128xi32, #tpu.memory_space<vmem>> -> memref<1x128xi32, #tpu.memory_space<vmem>>
      %dma_wait3A_683 = tpu.memref_squeeze %dma_wait3A_682 : memref<1x128xi32, #tpu.memory_space<vmem>> -> memref<128xi32, #tpu.memory_space<vmem>>
      %dma_wait3A_684 = arith.constant 0 : i32
      %dma_wait3A_685 = arith.constant 0 : i32
      %dma_wait3A_686 = tpu.memref_slice %arg2[%dma_wait3A_684, %dma_wait3A_685] : memref<100000x128xf32, #tpu.memory_space<hbm>> -> memref<100000x128xf32, #tpu.memory_space<hbm>>
      tpu.wait_indirect_dma semaphore(%arg12 : memref<!tpu.dma_semaphore, #tpu.memory_space<semaphore_mem>>) src(%dma_wait3A_686 : memref<100000x128xf32, #tpu.memory_space<hbm>>) dst(%dma_wait3A_680 : memref<128x128xf32, #tpu.memory_space<vmem>>)
      %sub3A_687 = arith.constant 5 : i32
      %sub3A_688 = arith.subi %add3A_650, %sub3A_687 : i32
      %mul3A_689 = arith.constant 128 : i32
      %mul3A_690 = arith.muli %sub3A_688, %mul3A_689 : i32
      %add3A_691 = arith.addi %mul3A_2, %mul3A_690 : i32
      %dma_start3A_692 = arith.constant 5 : i32
      %dma_start3A_693 = arith.constant 0 : i32
      %dma_start3A_694 = arith.constant 0 : i32
      %dma_start3A_695 = tpu.memref_slice %arg6[%dma_start3A_692, %dma_start3A_693, %dma_start3A_694] : memref<6x128x128xf32, #tpu.memory_space<vmem>> -> memref<1x128x128xf32, #tpu.memory_space<vmem>>
      %dma_start3A_696 = tpu.memref_squeeze %dma_start3A_695 : memref<1x128x128xf32, #tpu.memory_space<vmem>> -> memref<128x128xf32, #tpu.memory_space<vmem>>
      %dma_start3A_697 = arith.constant 0 : i32
      %dma_start3A_698 = tpu.memref_slice %arg4[%add3A_691, %dma_start3A_697] : memref<819200x128xf32, #tpu.memory_space<hbm>> -> memref<128x128xf32, #tpu.memory_space<hbm>>
      %dma_start3A_699 = arith.constant 0 : i32
      %dma_start3A_700 = tpu.memref_slice %arg4[%add3A_691, %dma_start3A_699] : memref<819200x128xf32, #tpu.memory_space<hbm>> -> memref<128x128xf32, #tpu.memory_space<hbm>>
      %dma_start3A_701 = arith.constant 0 : i32
      %dma_start3A_702 = arith.constant 0 : i32
      %dma_start3A_703 = tpu.memref_slice %arg6[%dma_start3A_692, %dma_start3A_701, %dma_start3A_702] : memref<6x128x128xf32, #tpu.memory_space<vmem>> -> memref<1x128x128xf32, #tpu.memory_space<vmem>>
      %dma_start3A_704 = tpu.memref_squeeze %dma_start3A_703 : memref<1x128x128xf32, #tpu.memory_space<vmem>> -> memref<128x128xf32, #tpu.memory_space<vmem>>
      tpu.enqueue_dma source(%dma_start3A_704 : memref<128x128xf32, #tpu.memory_space<vmem>>) target(%dma_start3A_700 : memref<128x128xf32, #tpu.memory_space<hbm>>) target_semaphore(%arg18 : memref<!tpu.dma_semaphore, #tpu.memory_space<semaphore_mem>>)
      %add3A_705 = arith.constant 5 : i32
      %add3A_706 = arith.addi %add3A_425, %add3A_705 : i32
      %dma_wait3A_707 = arith.constant 5 : i32
      %dma_wait3A_708 = arith.constant 0 : i32
      %dma_wait3A_709 = arith.constant 0 : i32
      %dma_wait3A_710 = tpu.memref_slice %arg6[%dma_wait3A_707, %dma_wait3A_708, %dma_wait3A_709] : memref<6x128x128xf32, #tpu.memory_space<vmem>> -> memref<1x128x128xf32, #tpu.memory_space<vmem>>
      %dma_wait3A_711 = tpu.memref_squeeze %dma_wait3A_710 : memref<1x128x128xf32, #tpu.memory_space<vmem>> -> memref<128x128xf32, #tpu.memory_space<vmem>>
      %dma_wait3A_712 = arith.constant 0 : i32
      %dma_wait3A_713 = tpu.memref_slice %arg4[%mul3A_2, %dma_wait3A_712] : memref<819200x128xf32, #tpu.memory_space<hbm>> -> memref<128x128xf32, #tpu.memory_space<hbm>>
      %dma_wait3A_714 = arith.constant 0 : i32
      %dma_wait3A_715 = tpu.memref_slice %arg4[%mul3A_2, %dma_wait3A_714] : memref<819200x128xf32, #tpu.memory_space<hbm>> -> memref<128x128xf32, #tpu.memory_space<hbm>>
      %dma_wait3A_716 = arith.constant 0 : i32
      %dma_wait3A_717 = arith.constant 0 : i32
      %dma_wait3A_718 = tpu.memref_slice %arg6[%dma_wait3A_707, %dma_wait3A_716, %dma_wait3A_717] : memref<6x128x128xf32, #tpu.memory_space<vmem>> -> memref<1x128x128xf32, #tpu.memory_space<vmem>>
      %dma_wait3A_719 = tpu.memref_squeeze %dma_wait3A_718 : memref<1x128x128xf32, #tpu.memory_space<vmem>> -> memref<128x128xf32, #tpu.memory_space<vmem>>
      tpu.wait_dma2 semaphore(%arg18 : memref<!tpu.dma_semaphore, #tpu.memory_space<semaphore_mem>>) src(%dma_wait3A_719 : memref<128x128xf32, #tpu.memory_space<vmem>>) dst(%dma_wait3A_715 : memref<128x128xf32, #tpu.memory_space<hbm>>)
      %dma_start3A_720 = arith.constant 5 : i32
      %dma_start3A_721 = arith.constant 0 : i32
      %dma_start3A_722 = arith.constant 0 : i32
      %dma_start3A_723 = tpu.memref_slice %arg6[%dma_start3A_720, %dma_start3A_721, %dma_start3A_722] : memref<6x128x128xf32, #tpu.memory_space<vmem>> -> memref<1x128x128xf32, #tpu.memory_space<vmem>>
      %dma_start3A_724 = tpu.memref_squeeze %dma_start3A_723 : memref<1x128x128xf32, #tpu.memory_space<vmem>> -> memref<128x128xf32, #tpu.memory_space<vmem>>
      %dma_start3A_725 = arith.constant 0 : i32
      %dma_start3A_726 = tpu.memref_slice %arg5[%add3A_706, %dma_start3A_725] : memref<200x128xi32, #tpu.memory_space<vmem>> -> memref<1x128xi32, #tpu.memory_space<vmem>>
      %dma_start3A_727 = tpu.memref_squeeze %dma_start3A_726 : memref<1x128xi32, #tpu.memory_space<vmem>> -> memref<128xi32, #tpu.memory_space<vmem>>
      %dma_start3A_728 = arith.constant 0 : i32
      %dma_start3A_729 = arith.constant 0 : i32
      %dma_start3A_730 = tpu.memref_slice %arg2[%dma_start3A_728, %dma_start3A_729] : memref<100000x128xf32, #tpu.memory_space<hbm>> -> memref<100000x128xf32, #tpu.memory_space<hbm>>
      tpu.enqueue_indirect_dma source(%dma_start3A_730 : memref<100000x128xf32, #tpu.memory_space<hbm>>) target(%dma_start3A_724 : memref<128x128xf32, #tpu.memory_space<vmem>>) offsets(%dma_start3A_727 : memref<128xi32, #tpu.memory_space<vmem>>) semaphore(%arg12 : memref<!tpu.dma_semaphore, #tpu.memory_space<semaphore_mem>>)
      %dma_wait3A_731 = arith.constant 0 : i32
      %dma_wait3A_732 = arith.constant 0 : i32
      %dma_wait3A_733 = arith.constant 0 : i32
      %dma_wait3A_734 = arith.constant 0 : i32
      %dma_wait3A_735 = tpu.memref_slice %arg6[%dma_wait3A_732, %dma_wait3A_733, %dma_wait3A_734] : memref<6x128x128xf32, #tpu.memory_space<vmem>> -> memref<1x128x128xf32, #tpu.memory_space<vmem>>
      %dma_wait3A_736 = tpu.memref_squeeze %dma_wait3A_735 : memref<1x128x128xf32, #tpu.memory_space<vmem>> -> memref<128x128xf32, #tpu.memory_space<vmem>>
      %dma_wait3A_737 = arith.constant 0 : i32
      %dma_wait3A_738 = tpu.memref_slice %arg5[%dma_wait3A_731, %dma_wait3A_737] : memref<200x128xi32, #tpu.memory_space<vmem>> -> memref<1x128xi32, #tpu.memory_space<vmem>>
      %dma_wait3A_739 = tpu.memref_squeeze %dma_wait3A_738 : memref<1x128xi32, #tpu.memory_space<vmem>> -> memref<128xi32, #tpu.memory_space<vmem>>
      %dma_wait3A_740 = arith.constant 0 : i32
      %dma_wait3A_741 = arith.constant 0 : i32
      %dma_wait3A_742 = tpu.memref_slice %arg2[%dma_wait3A_740, %dma_wait3A_741] : memref<100000x128xf32, #tpu.memory_space<hbm>> -> memref<100000x128xf32, #tpu.memory_space<hbm>>
      tpu.wait_indirect_dma semaphore(%arg7 : memref<!tpu.dma_semaphore, #tpu.memory_space<semaphore_mem>>) src(%dma_wait3A_742 : memref<100000x128xf32, #tpu.memory_space<hbm>>) dst(%dma_wait3A_736 : memref<128x128xf32, #tpu.memory_space<vmem>>)
      %sub3A_743 = arith.constant 5 : i32
      %sub3A_744 = arith.subi %add3A_706, %sub3A_743 : i32
      %mul3A_745 = arith.constant 128 : i32
      %mul3A_746 = arith.muli %sub3A_744, %mul3A_745 : i32
      %add3A_747 = arith.addi %mul3A_2, %mul3A_746 : i32
      %dma_start3A_748 = arith.constant 0 : i32
      %dma_start3A_749 = arith.constant 0 : i32
      %dma_start3A_750 = arith.constant 0 : i32
      %dma_start3A_751 = tpu.memref_slice %arg6[%dma_start3A_748, %dma_start3A_749, %dma_start3A_750] : memref<6x128x128xf32, #tpu.memory_space<vmem>> -> memref<1x128x128xf32, #tpu.memory_space<vmem>>
      %dma_start3A_752 = tpu.memref_squeeze %dma_start3A_751 : memref<1x128x128xf32, #tpu.memory_space<vmem>> -> memref<128x128xf32, #tpu.memory_space<vmem>>
      %dma_start3A_753 = arith.constant 0 : i32
      %dma_start3A_754 = tpu.memref_slice %arg4[%add3A_747, %dma_start3A_753] : memref<819200x128xf32, #tpu.memory_space<hbm>> -> memref<128x128xf32, #tpu.memory_space<hbm>>
      %dma_start3A_755 = arith.constant 0 : i32
      %dma_start3A_756 = tpu.memref_slice %arg4[%add3A_747, %dma_start3A_755] : memref<819200x128xf32, #tpu.memory_space<hbm>> -> memref<128x128xf32, #tpu.memory_space<hbm>>
      %dma_start3A_757 = arith.constant 0 : i32
      %dma_start3A_758 = arith.constant 0 : i32
      %dma_start3A_759 = tpu.memref_slice %arg6[%dma_start3A_748, %dma_start3A_757, %dma_start3A_758] : memref<6x128x128xf32, #tpu.memory_space<vmem>> -> memref<1x128x128xf32, #tpu.memory_space<vmem>>
      %dma_start3A_760 = tpu.memref_squeeze %dma_start3A_759 : memref<1x128x128xf32, #tpu.memory_space<vmem>> -> memref<128x128xf32, #tpu.memory_space<vmem>>
      tpu.enqueue_dma source(%dma_start3A_760 : memref<128x128xf32, #tpu.memory_space<vmem>>) target(%dma_start3A_756 : memref<128x128xf32, #tpu.memory_space<hbm>>) target_semaphore(%arg13 : memref<!tpu.dma_semaphore, #tpu.memory_space<semaphore_mem>>)
    }
    %scan3A_103 = arith.constant 32 : i32
    %dma_wait3A_104 = arith.constant 0 : i32
    %dma_wait3A_105 = arith.constant 0 : i32
    %dma_wait3A_106 = arith.constant 0 : i32
    %dma_wait3A_107 = tpu.memref_slice %arg6[%dma_wait3A_104, %dma_wait3A_105, %dma_wait3A_106] : memref<6x128x128xf32, #tpu.memory_space<vmem>> -> memref<1x128x128xf32, #tpu.memory_space<vmem>>
    %dma_wait3A_108 = tpu.memref_squeeze %dma_wait3A_107 : memref<1x128x128xf32, #tpu.memory_space<vmem>> -> memref<128x128xf32, #tpu.memory_space<vmem>>
    %dma_wait3A_109 = arith.constant 0 : i32
    %dma_wait3A_110 = tpu.memref_slice %arg4[%mul3A_2, %dma_wait3A_109] : memref<819200x128xf32, #tpu.memory_space<hbm>> -> memref<128x128xf32, #tpu.memory_space<hbm>>
    %dma_wait3A_111 = arith.constant 0 : i32
    %dma_wait3A_112 = tpu.memref_slice %arg4[%mul3A_2, %dma_wait3A_111] : memref<819200x128xf32, #tpu.memory_space<hbm>> -> memref<128x128xf32, #tpu.memory_space<hbm>>
    %dma_wait3A_113 = arith.constant 0 : i32
    %dma_wait3A_114 = arith.constant 0 : i32
    %dma_wait3A_115 = tpu.memref_slice %arg6[%dma_wait3A_104, %dma_wait3A_113, %dma_wait3A_114] : memref<6x128x128xf32, #tpu.memory_space<vmem>> -> memref<1x128x128xf32, #tpu.memory_space<vmem>>
    %dma_wait3A_116 = tpu.memref_squeeze %dma_wait3A_115 : memref<1x128x128xf32, #tpu.memory_space<vmem>> -> memref<128x128xf32, #tpu.memory_space<vmem>>
    tpu.wait_dma2 semaphore(%arg13 : memref<!tpu.dma_semaphore, #tpu.memory_space<semaphore_mem>>) src(%dma_wait3A_116 : memref<128x128xf32, #tpu.memory_space<vmem>>) dst(%dma_wait3A_112 : memref<128x128xf32, #tpu.memory_space<hbm>>)
    %dma_start3A_117 = arith.constant 198 : i32
    %dma_start3A_118 = arith.constant 0 : i32
    %dma_start3A_119 = arith.constant 0 : i32
    %dma_start3A_120 = arith.constant 0 : i32
    %dma_start3A_121 = tpu.memref_slice %arg6[%dma_start3A_118, %dma_start3A_119, %dma_start3A_120] : memref<6x128x128xf32, #tpu.memory_space<vmem>> -> memref<1x128x128xf32, #tpu.memory_space<vmem>>
    %dma_start3A_122 = tpu.memref_squeeze %dma_start3A_121 : memref<1x128x128xf32, #tpu.memory_space<vmem>> -> memref<128x128xf32, #tpu.memory_space<vmem>>
    %dma_start3A_123 = arith.constant 0 : i32
    %dma_start3A_124 = tpu.memref_slice %arg5[%dma_start3A_117, %dma_start3A_123] : memref<200x128xi32, #tpu.memory_space<vmem>> -> memref<1x128xi32, #tpu.memory_space<vmem>>
    %dma_start3A_125 = tpu.memref_squeeze %dma_start3A_124 : memref<1x128xi32, #tpu.memory_space<vmem>> -> memref<128xi32, #tpu.memory_space<vmem>>
    %dma_start3A_126 = arith.constant 0 : i32
    %dma_start3A_127 = arith.constant 0 : i32
    %dma_start3A_128 = tpu.memref_slice %arg2[%dma_start3A_126, %dma_start3A_127] : memref<100000x128xf32, #tpu.memory_space<hbm>> -> memref<100000x128xf32, #tpu.memory_space<hbm>>
    tpu.enqueue_indirect_dma source(%dma_start3A_128 : memref<100000x128xf32, #tpu.memory_space<hbm>>) target(%dma_start3A_122 : memref<128x128xf32, #tpu.memory_space<vmem>>) offsets(%dma_start3A_125 : memref<128xi32, #tpu.memory_space<vmem>>) semaphore(%arg7 : memref<!tpu.dma_semaphore, #tpu.memory_space<semaphore_mem>>)
    %dma_wait3A_129 = arith.constant 0 : i32
    %dma_wait3A_130 = arith.constant 1 : i32
    %dma_wait3A_131 = arith.constant 0 : i32
    %dma_wait3A_132 = arith.constant 0 : i32
    %dma_wait3A_133 = tpu.memref_slice %arg6[%dma_wait3A_130, %dma_wait3A_131, %dma_wait3A_132] : memref<6x128x128xf32, #tpu.memory_space<vmem>> -> memref<1x128x128xf32, #tpu.memory_space<vmem>>
    %dma_wait3A_134 = tpu.memref_squeeze %dma_wait3A_133 : memref<1x128x128xf32, #tpu.memory_space<vmem>> -> memref<128x128xf32, #tpu.memory_space<vmem>>
    %dma_wait3A_135 = arith.constant 0 : i32
    %dma_wait3A_136 = tpu.memref_slice %arg5[%dma_wait3A_129, %dma_wait3A_135] : memref<200x128xi32, #tpu.memory_space<vmem>> -> memref<1x128xi32, #tpu.memory_space<vmem>>
    %dma_wait3A_137 = tpu.memref_squeeze %dma_wait3A_136 : memref<1x128xi32, #tpu.memory_space<vmem>> -> memref<128xi32, #tpu.memory_space<vmem>>
    %dma_wait3A_138 = arith.constant 0 : i32
    %dma_wait3A_139 = arith.constant 0 : i32
    %dma_wait3A_140 = tpu.memref_slice %arg2[%dma_wait3A_138, %dma_wait3A_139] : memref<100000x128xf32, #tpu.memory_space<hbm>> -> memref<100000x128xf32, #tpu.memory_space<hbm>>
    tpu.wait_indirect_dma semaphore(%arg8 : memref<!tpu.dma_semaphore, #tpu.memory_space<semaphore_mem>>) src(%dma_wait3A_140 : memref<100000x128xf32, #tpu.memory_space<hbm>>) dst(%dma_wait3A_134 : memref<128x128xf32, #tpu.memory_space<vmem>>)
    %add3A_141 = arith.constant 24704 : i32
    %add3A_142 = arith.addi %mul3A_2, %add3A_141 : i32
    %dma_start3A_143 = arith.constant 1 : i32
    %dma_start3A_144 = arith.constant 0 : i32
    %dma_start3A_145 = arith.constant 0 : i32
    %dma_start3A_146 = tpu.memref_slice %arg6[%dma_start3A_143, %dma_start3A_144, %dma_start3A_145] : memref<6x128x128xf32, #tpu.memory_space<vmem>> -> memref<1x128x128xf32, #tpu.memory_space<vmem>>
    %dma_start3A_147 = tpu.memref_squeeze %dma_start3A_146 : memref<1x128x128xf32, #tpu.memory_space<vmem>> -> memref<128x128xf32, #tpu.memory_space<vmem>>
    %dma_start3A_148 = arith.constant 0 : i32
    %dma_start3A_149 = tpu.memref_slice %arg4[%add3A_142, %dma_start3A_148] : memref<819200x128xf32, #tpu.memory_space<hbm>> -> memref<128x128xf32, #tpu.memory_space<hbm>>
    %dma_start3A_150 = arith.constant 0 : i32
    %dma_start3A_151 = tpu.memref_slice %arg4[%add3A_142, %dma_start3A_150] : memref<819200x128xf32, #tpu.memory_space<hbm>> -> memref<128x128xf32, #tpu.memory_space<hbm>>
    %dma_start3A_152 = arith.constant 0 : i32
    %dma_start3A_153 = arith.constant 0 : i32
    %dma_start3A_154 = tpu.memref_slice %arg6[%dma_start3A_143, %dma_start3A_152, %dma_start3A_153] : memref<6x128x128xf32, #tpu.memory_space<vmem>> -> memref<1x128x128xf32, #tpu.memory_space<vmem>>
    %dma_start3A_155 = tpu.memref_squeeze %dma_start3A_154 : memref<1x128x128xf32, #tpu.memory_space<vmem>> -> memref<128x128xf32, #tpu.memory_space<vmem>>
    tpu.enqueue_dma source(%dma_start3A_155 : memref<128x128xf32, #tpu.memory_space<vmem>>) target(%dma_start3A_151 : memref<128x128xf32, #tpu.memory_space<hbm>>) target_semaphore(%arg14 : memref<!tpu.dma_semaphore, #tpu.memory_space<semaphore_mem>>)
    %dma_wait3A_156 = arith.constant 1 : i32
    %dma_wait3A_157 = arith.constant 0 : i32
    %dma_wait3A_158 = arith.constant 0 : i32
    %dma_wait3A_159 = tpu.memref_slice %arg6[%dma_wait3A_156, %dma_wait3A_157, %dma_wait3A_158] : memref<6x128x128xf32, #tpu.memory_space<vmem>> -> memref<1x128x128xf32, #tpu.memory_space<vmem>>
    %dma_wait3A_160 = tpu.memref_squeeze %dma_wait3A_159 : memref<1x128x128xf32, #tpu.memory_space<vmem>> -> memref<128x128xf32, #tpu.memory_space<vmem>>
    %dma_wait3A_161 = arith.constant 0 : i32
    %dma_wait3A_162 = tpu.memref_slice %arg4[%mul3A_2, %dma_wait3A_161] : memref<819200x128xf32, #tpu.memory_space<hbm>> -> memref<128x128xf32, #tpu.memory_space<hbm>>
    %dma_wait3A_163 = arith.constant 0 : i32
    %dma_wait3A_164 = tpu.memref_slice %arg4[%mul3A_2, %dma_wait3A_163] : memref<819200x128xf32, #tpu.memory_space<hbm>> -> memref<128x128xf32, #tpu.memory_space<hbm>>
    %dma_wait3A_165 = arith.constant 0 : i32
    %dma_wait3A_166 = arith.constant 0 : i32
    %dma_wait3A_167 = tpu.memref_slice %arg6[%dma_wait3A_156, %dma_wait3A_165, %dma_wait3A_166] : memref<6x128x128xf32, #tpu.memory_space<vmem>> -> memref<1x128x128xf32, #tpu.memory_space<vmem>>
    %dma_wait3A_168 = tpu.memref_squeeze %dma_wait3A_167 : memref<1x128x128xf32, #tpu.memory_space<vmem>> -> memref<128x128xf32, #tpu.memory_space<vmem>>
    tpu.wait_dma2 semaphore(%arg14 : memref<!tpu.dma_semaphore, #tpu.memory_space<semaphore_mem>>) src(%dma_wait3A_168 : memref<128x128xf32, #tpu.memory_space<vmem>>) dst(%dma_wait3A_164 : memref<128x128xf32, #tpu.memory_space<hbm>>)
    %dma_start3A_169 = arith.constant 199 : i32
    %dma_start3A_170 = arith.constant 1 : i32
    %dma_start3A_171 = arith.constant 0 : i32
    %dma_start3A_172 = arith.constant 0 : i32
    %dma_start3A_173 = tpu.memref_slice %arg6[%dma_start3A_170, %dma_start3A_171, %dma_start3A_172] : memref<6x128x128xf32, #tpu.memory_space<vmem>> -> memref<1x128x128xf32, #tpu.memory_space<vmem>>
    %dma_start3A_174 = tpu.memref_squeeze %dma_start3A_173 : memref<1x128x128xf32, #tpu.memory_space<vmem>> -> memref<128x128xf32, #tpu.memory_space<vmem>>
    %dma_start3A_175 = arith.constant 0 : i32
    %dma_start3A_176 = tpu.memref_slice %arg5[%dma_start3A_169, %dma_start3A_175] : memref<200x128xi32, #tpu.memory_space<vmem>> -> memref<1x128xi32, #tpu.memory_space<vmem>>
    %dma_start3A_177 = tpu.memref_squeeze %dma_start3A_176 : memref<1x128xi32, #tpu.memory_space<vmem>> -> memref<128xi32, #tpu.memory_space<vmem>>
    %dma_start3A_178 = arith.constant 0 : i32
    %dma_start3A_179 = arith.constant 0 : i32
    %dma_start3A_180 = tpu.memref_slice %arg2[%dma_start3A_178, %dma_start3A_179] : memref<100000x128xf32, #tpu.memory_space<hbm>> -> memref<100000x128xf32, #tpu.memory_space<hbm>>
    tpu.enqueue_indirect_dma source(%dma_start3A_180 : memref<100000x128xf32, #tpu.memory_space<hbm>>) target(%dma_start3A_174 : memref<128x128xf32, #tpu.memory_space<vmem>>) offsets(%dma_start3A_177 : memref<128xi32, #tpu.memory_space<vmem>>) semaphore(%arg8 : memref<!tpu.dma_semaphore, #tpu.memory_space<semaphore_mem>>)
    %dma_wait3A_181 = arith.constant 0 : i32
    %dma_wait3A_182 = arith.constant 2 : i32
    %dma_wait3A_183 = arith.constant 0 : i32
    %dma_wait3A_184 = arith.constant 0 : i32
    %dma_wait3A_185 = tpu.memref_slice %arg6[%dma_wait3A_182, %dma_wait3A_183, %dma_wait3A_184] : memref<6x128x128xf32, #tpu.memory_space<vmem>> -> memref<1x128x128xf32, #tpu.memory_space<vmem>>
    %dma_wait3A_186 = tpu.memref_squeeze %dma_wait3A_185 : memref<1x128x128xf32, #tpu.memory_space<vmem>> -> memref<128x128xf32, #tpu.memory_space<vmem>>
    %dma_wait3A_187 = arith.constant 0 : i32
    %dma_wait3A_188 = tpu.memref_slice %arg5[%dma_wait3A_181, %dma_wait3A_187] : memref<200x128xi32, #tpu.memory_space<vmem>> -> memref<1x128xi32, #tpu.memory_space<vmem>>
    %dma_wait3A_189 = tpu.memref_squeeze %dma_wait3A_188 : memref<1x128xi32, #tpu.memory_space<vmem>> -> memref<128xi32, #tpu.memory_space<vmem>>
    %dma_wait3A_190 = arith.constant 0 : i32
    %dma_wait3A_191 = arith.constant 0 : i32
    %dma_wait3A_192 = tpu.memref_slice %arg2[%dma_wait3A_190, %dma_wait3A_191] : memref<100000x128xf32, #tpu.memory_space<hbm>> -> memref<100000x128xf32, #tpu.memory_space<hbm>>
    tpu.wait_indirect_dma semaphore(%arg9 : memref<!tpu.dma_semaphore, #tpu.memory_space<semaphore_mem>>) src(%dma_wait3A_192 : memref<100000x128xf32, #tpu.memory_space<hbm>>) dst(%dma_wait3A_186 : memref<128x128xf32, #tpu.memory_space<vmem>>)
    %add3A_193 = arith.constant 24832 : i32
    %add3A_194 = arith.addi %mul3A_2, %add3A_193 : i32
    %dma_start3A_195 = arith.constant 2 : i32
    %dma_start3A_196 = arith.constant 0 : i32
    %dma_start3A_197 = arith.constant 0 : i32
    %dma_start3A_198 = tpu.memref_slice %arg6[%dma_start3A_195, %dma_start3A_196, %dma_start3A_197] : memref<6x128x128xf32, #tpu.memory_space<vmem>> -> memref<1x128x128xf32, #tpu.memory_space<vmem>>
    %dma_start3A_199 = tpu.memref_squeeze %dma_start3A_198 : memref<1x128x128xf32, #tpu.memory_space<vmem>> -> memref<128x128xf32, #tpu.memory_space<vmem>>
    %dma_start3A_200 = arith.constant 0 : i32
    %dma_start3A_201 = tpu.memref_slice %arg4[%add3A_194, %dma_start3A_200] : memref<819200x128xf32, #tpu.memory_space<hbm>> -> memref<128x128xf32, #tpu.memory_space<hbm>>
    %dma_start3A_202 = arith.constant 0 : i32
    %dma_start3A_203 = tpu.memref_slice %arg4[%add3A_194, %dma_start3A_202] : memref<819200x128xf32, #tpu.memory_space<hbm>> -> memref<128x128xf32, #tpu.memory_space<hbm>>
    %dma_start3A_204 = arith.constant 0 : i32
    %dma_start3A_205 = arith.constant 0 : i32
    %dma_start3A_206 = tpu.memref_slice %arg6[%dma_start3A_195, %dma_start3A_204, %dma_start3A_205] : memref<6x128x128xf32, #tpu.memory_space<vmem>> -> memref<1x128x128xf32, #tpu.memory_space<vmem>>
    %dma_start3A_207 = tpu.memref_squeeze %dma_start3A_206 : memref<1x128x128xf32, #tpu.memory_space<vmem>> -> memref<128x128xf32, #tpu.memory_space<vmem>>
    tpu.enqueue_dma source(%dma_start3A_207 : memref<128x128xf32, #tpu.memory_space<vmem>>) target(%dma_start3A_203 : memref<128x128xf32, #tpu.memory_space<hbm>>) target_semaphore(%arg15 : memref<!tpu.dma_semaphore, #tpu.memory_space<semaphore_mem>>)
    %dma_wait3A_208 = arith.constant 0 : i32
    %dma_wait3A_209 = arith.constant 3 : i32
    %dma_wait3A_210 = arith.constant 0 : i32
    %dma_wait3A_211 = arith.constant 0 : i32
    %dma_wait3A_212 = tpu.memref_slice %arg6[%dma_wait3A_209, %dma_wait3A_210, %dma_wait3A_211] : memref<6x128x128xf32, #tpu.memory_space<vmem>> -> memref<1x128x128xf32, #tpu.memory_space<vmem>>
    %dma_wait3A_213 = tpu.memref_squeeze %dma_wait3A_212 : memref<1x128x128xf32, #tpu.memory_space<vmem>> -> memref<128x128xf32, #tpu.memory_space<vmem>>
    %dma_wait3A_214 = arith.constant 0 : i32
    %dma_wait3A_215 = tpu.memref_slice %arg5[%dma_wait3A_208, %dma_wait3A_214] : memref<200x128xi32, #tpu.memory_space<vmem>> -> memref<1x128xi32, #tpu.memory_space<vmem>>
    %dma_wait3A_216 = tpu.memref_squeeze %dma_wait3A_215 : memref<1x128xi32, #tpu.memory_space<vmem>> -> memref<128xi32, #tpu.memory_space<vmem>>
    %dma_wait3A_217 = arith.constant 0 : i32
    %dma_wait3A_218 = arith.constant 0 : i32
    %dma_wait3A_219 = tpu.memref_slice %arg2[%dma_wait3A_217, %dma_wait3A_218] : memref<100000x128xf32, #tpu.memory_space<hbm>> -> memref<100000x128xf32, #tpu.memory_space<hbm>>
    tpu.wait_indirect_dma semaphore(%arg10 : memref<!tpu.dma_semaphore, #tpu.memory_space<semaphore_mem>>) src(%dma_wait3A_219 : memref<100000x128xf32, #tpu.memory_space<hbm>>) dst(%dma_wait3A_213 : memref<128x128xf32, #tpu.memory_space<vmem>>)
    %add3A_220 = arith.constant 24960 : i32
    %add3A_221 = arith.addi %mul3A_2, %add3A_220 : i32
    %dma_start3A_222 = arith.constant 3 : i32
    %dma_start3A_223 = arith.constant 0 : i32
    %dma_start3A_224 = arith.constant 0 : i32
    %dma_start3A_225 = tpu.memref_slice %arg6[%dma_start3A_222, %dma_start3A_223, %dma_start3A_224] : memref<6x128x128xf32, #tpu.memory_space<vmem>> -> memref<1x128x128xf32, #tpu.memory_space<vmem>>
    %dma_start3A_226 = tpu.memref_squeeze %dma_start3A_225 : memref<1x128x128xf32, #tpu.memory_space<vmem>> -> memref<128x128xf32, #tpu.memory_space<vmem>>
    %dma_start3A_227 = arith.constant 0 : i32
    %dma_start3A_228 = tpu.memref_slice %arg4[%add3A_221, %dma_start3A_227] : memref<819200x128xf32, #tpu.memory_space<hbm>> -> memref<128x128xf32, #tpu.memory_space<hbm>>
    %dma_start3A_229 = arith.constant 0 : i32
    %dma_start3A_230 = tpu.memref_slice %arg4[%add3A_221, %dma_start3A_229] : memref<819200x128xf32, #tpu.memory_space<hbm>> -> memref<128x128xf32, #tpu.memory_space<hbm>>
    %dma_start3A_231 = arith.constant 0 : i32
    %dma_start3A_232 = arith.constant 0 : i32
    %dma_start3A_233 = tpu.memref_slice %arg6[%dma_start3A_222, %dma_start3A_231, %dma_start3A_232] : memref<6x128x128xf32, #tpu.memory_space<vmem>> -> memref<1x128x128xf32, #tpu.memory_space<vmem>>
    %dma_start3A_234 = tpu.memref_squeeze %dma_start3A_233 : memref<1x128x128xf32, #tpu.memory_space<vmem>> -> memref<128x128xf32, #tpu.memory_space<vmem>>
    tpu.enqueue_dma source(%dma_start3A_234 : memref<128x128xf32, #tpu.memory_space<vmem>>) target(%dma_start3A_230 : memref<128x128xf32, #tpu.memory_space<hbm>>) target_semaphore(%arg16 : memref<!tpu.dma_semaphore, #tpu.memory_space<semaphore_mem>>)
    %dma_wait3A_235 = arith.constant 0 : i32
    %dma_wait3A_236 = arith.constant 4 : i32
    %dma_wait3A_237 = arith.constant 0 : i32
    %dma_wait3A_238 = arith.constant 0 : i32
    %dma_wait3A_239 = tpu.memref_slice %arg6[%dma_wait3A_236, %dma_wait3A_237, %dma_wait3A_238] : memref<6x128x128xf32, #tpu.memory_space<vmem>> -> memref<1x128x128xf32, #tpu.memory_space<vmem>>
    %dma_wait3A_240 = tpu.memref_squeeze %dma_wait3A_239 : memref<1x128x128xf32, #tpu.memory_space<vmem>> -> memref<128x128xf32, #tpu.memory_space<vmem>>
    %dma_wait3A_241 = arith.constant 0 : i32
    %dma_wait3A_242 = tpu.memref_slice %arg5[%dma_wait3A_235, %dma_wait3A_241] : memref<200x128xi32, #tpu.memory_space<vmem>> -> memref<1x128xi32, #tpu.memory_space<vmem>>
    %dma_wait3A_243 = tpu.memref_squeeze %dma_wait3A_242 : memref<1x128xi32, #tpu.memory_space<vmem>> -> memref<128xi32, #tpu.memory_space<vmem>>
    %dma_wait3A_244 = arith.constant 0 : i32
    %dma_wait3A_245 = arith.constant 0 : i32
    %dma_wait3A_246 = tpu.memref_slice %arg2[%dma_wait3A_244, %dma_wait3A_245] : memref<100000x128xf32, #tpu.memory_space<hbm>> -> memref<100000x128xf32, #tpu.memory_space<hbm>>
    tpu.wait_indirect_dma semaphore(%arg11 : memref<!tpu.dma_semaphore, #tpu.memory_space<semaphore_mem>>) src(%dma_wait3A_246 : memref<100000x128xf32, #tpu.memory_space<hbm>>) dst(%dma_wait3A_240 : memref<128x128xf32, #tpu.memory_space<vmem>>)
    %add3A_247 = arith.constant 25088 : i32
    %add3A_248 = arith.addi %mul3A_2, %add3A_247 : i32
    %dma_start3A_249 = arith.constant 4 : i32
    %dma_start3A_250 = arith.constant 0 : i32
    %dma_start3A_251 = arith.constant 0 : i32
    %dma_start3A_252 = tpu.memref_slice %arg6[%dma_start3A_249, %dma_start3A_250, %dma_start3A_251] : memref<6x128x128xf32, #tpu.memory_space<vmem>> -> memref<1x128x128xf32, #tpu.memory_space<vmem>>
    %dma_start3A_253 = tpu.memref_squeeze %dma_start3A_252 : memref<1x128x128xf32, #tpu.memory_space<vmem>> -> memref<128x128xf32, #tpu.memory_space<vmem>>
    %dma_start3A_254 = arith.constant 0 : i32
    %dma_start3A_255 = tpu.memref_slice %arg4[%add3A_248, %dma_start3A_254] : memref<819200x128xf32, #tpu.memory_space<hbm>> -> memref<128x128xf32, #tpu.memory_space<hbm>>
    %dma_start3A_256 = arith.constant 0 : i32
    %dma_start3A_257 = tpu.memref_slice %arg4[%add3A_248, %dma_start3A_256] : memref<819200x128xf32, #tpu.memory_space<hbm>> -> memref<128x128xf32, #tpu.memory_space<hbm>>
    %dma_start3A_258 = arith.constant 0 : i32
    %dma_start3A_259 = arith.constant 0 : i32
    %dma_start3A_260 = tpu.memref_slice %arg6[%dma_start3A_249, %dma_start3A_258, %dma_start3A_259] : memref<6x128x128xf32, #tpu.memory_space<vmem>> -> memref<1x128x128xf32, #tpu.memory_space<vmem>>
    %dma_start3A_261 = tpu.memref_squeeze %dma_start3A_260 : memref<1x128x128xf32, #tpu.memory_space<vmem>> -> memref<128x128xf32, #tpu.memory_space<vmem>>
    tpu.enqueue_dma source(%dma_start3A_261 : memref<128x128xf32, #tpu.memory_space<vmem>>) target(%dma_start3A_257 : memref<128x128xf32, #tpu.memory_space<hbm>>) target_semaphore(%arg17 : memref<!tpu.dma_semaphore, #tpu.memory_space<semaphore_mem>>)
    %dma_wait3A_262 = arith.constant 0 : i32
    %dma_wait3A_263 = arith.constant 5 : i32
    %dma_wait3A_264 = arith.constant 0 : i32
    %dma_wait3A_265 = arith.constant 0 : i32
    %dma_wait3A_266 = tpu.memref_slice %arg6[%dma_wait3A_263, %dma_wait3A_264, %dma_wait3A_265] : memref<6x128x128xf32, #tpu.memory_space<vmem>> -> memref<1x128x128xf32, #tpu.memory_space<vmem>>
    %dma_wait3A_267 = tpu.memref_squeeze %dma_wait3A_266 : memref<1x128x128xf32, #tpu.memory_space<vmem>> -> memref<128x128xf32, #tpu.memory_space<vmem>>
    %dma_wait3A_268 = arith.constant 0 : i32
    %dma_wait3A_269 = tpu.memref_slice %arg5[%dma_wait3A_262, %dma_wait3A_268] : memref<200x128xi32, #tpu.memory_space<vmem>> -> memref<1x128xi32, #tpu.memory_space<vmem>>
    %dma_wait3A_270 = tpu.memref_squeeze %dma_wait3A_269 : memref<1x128xi32, #tpu.memory_space<vmem>> -> memref<128xi32, #tpu.memory_space<vmem>>
    %dma_wait3A_271 = arith.constant 0 : i32
    %dma_wait3A_272 = arith.constant 0 : i32
    %dma_wait3A_273 = tpu.memref_slice %arg2[%dma_wait3A_271, %dma_wait3A_272] : memref<100000x128xf32, #tpu.memory_space<hbm>> -> memref<100000x128xf32, #tpu.memory_space<hbm>>
    tpu.wait_indirect_dma semaphore(%arg12 : memref<!tpu.dma_semaphore, #tpu.memory_space<semaphore_mem>>) src(%dma_wait3A_273 : memref<100000x128xf32, #tpu.memory_space<hbm>>) dst(%dma_wait3A_267 : memref<128x128xf32, #tpu.memory_space<vmem>>)
    %add3A_274 = arith.constant 25216 : i32
    %add3A_275 = arith.addi %mul3A_2, %add3A_274 : i32
    %dma_start3A_276 = arith.constant 5 : i32
    %dma_start3A_277 = arith.constant 0 : i32
    %dma_start3A_278 = arith.constant 0 : i32
    %dma_start3A_279 = tpu.memref_slice %arg6[%dma_start3A_276, %dma_start3A_277, %dma_start3A_278] : memref<6x128x128xf32, #tpu.memory_space<vmem>> -> memref<1x128x128xf32, #tpu.memory_space<vmem>>
    %dma_start3A_280 = tpu.memref_squeeze %dma_start3A_279 : memref<1x128x128xf32, #tpu.memory_space<vmem>> -> memref<128x128xf32, #tpu.memory_space<vmem>>
    %dma_start3A_281 = arith.constant 0 : i32
    %dma_start3A_282 = tpu.memref_slice %arg4[%add3A_275, %dma_start3A_281] : memref<819200x128xf32, #tpu.memory_space<hbm>> -> memref<128x128xf32, #tpu.memory_space<hbm>>
    %dma_start3A_283 = arith.constant 0 : i32
    %dma_start3A_284 = tpu.memref_slice %arg4[%add3A_275, %dma_start3A_283] : memref<819200x128xf32, #tpu.memory_space<hbm>> -> memref<128x128xf32, #tpu.memory_space<hbm>>
    %dma_start3A_285 = arith.constant 0 : i32
    %dma_start3A_286 = arith.constant 0 : i32
    %dma_start3A_287 = tpu.memref_slice %arg6[%dma_start3A_276, %dma_start3A_285, %dma_start3A_286] : memref<6x128x128xf32, #tpu.memory_space<vmem>> -> memref<1x128x128xf32, #tpu.memory_space<vmem>>
    %dma_start3A_288 = tpu.memref_squeeze %dma_start3A_287 : memref<1x128x128xf32, #tpu.memory_space<vmem>> -> memref<128x128xf32, #tpu.memory_space<vmem>>
    tpu.enqueue_dma source(%dma_start3A_288 : memref<128x128xf32, #tpu.memory_space<vmem>>) target(%dma_start3A_284 : memref<128x128xf32, #tpu.memory_space<hbm>>) target_semaphore(%arg18 : memref<!tpu.dma_semaphore, #tpu.memory_space<semaphore_mem>>)
    %dma_wait3A_289 = arith.constant 0 : i32
    %dma_wait3A_290 = arith.constant 0 : i32
    %dma_wait3A_291 = arith.constant 0 : i32
    %dma_wait3A_292 = arith.constant 0 : i32
    %dma_wait3A_293 = tpu.memref_slice %arg6[%dma_wait3A_290, %dma_wait3A_291, %dma_wait3A_292] : memref<6x128x128xf32, #tpu.memory_space<vmem>> -> memref<1x128x128xf32, #tpu.memory_space<vmem>>
    %dma_wait3A_294 = tpu.memref_squeeze %dma_wait3A_293 : memref<1x128x128xf32, #tpu.memory_space<vmem>> -> memref<128x128xf32, #tpu.memory_space<vmem>>
    %dma_wait3A_295 = arith.constant 0 : i32
    %dma_wait3A_296 = tpu.memref_slice %arg5[%dma_wait3A_289, %dma_wait3A_295] : memref<200x128xi32, #tpu.memory_space<vmem>> -> memref<1x128xi32, #tpu.memory_space<vmem>>
    %dma_wait3A_297 = tpu.memref_squeeze %dma_wait3A_296 : memref<1x128xi32, #tpu.memory_space<vmem>> -> memref<128xi32, #tpu.memory_space<vmem>>
    %dma_wait3A_298 = arith.constant 0 : i32
    %dma_wait3A_299 = arith.constant 0 : i32
    %dma_wait3A_300 = tpu.memref_slice %arg2[%dma_wait3A_298, %dma_wait3A_299] : memref<100000x128xf32, #tpu.memory_space<hbm>> -> memref<100000x128xf32, #tpu.memory_space<hbm>>
    tpu.wait_indirect_dma semaphore(%arg7 : memref<!tpu.dma_semaphore, #tpu.memory_space<semaphore_mem>>) src(%dma_wait3A_300 : memref<100000x128xf32, #tpu.memory_space<hbm>>) dst(%dma_wait3A_294 : memref<128x128xf32, #tpu.memory_space<vmem>>)
    %add3A_301 = arith.constant 25344 : i32
    %add3A_302 = arith.addi %mul3A_2, %add3A_301 : i32
    %dma_start3A_303 = arith.constant 0 : i32
    %dma_start3A_304 = arith.constant 0 : i32
    %dma_start3A_305 = arith.constant 0 : i32
    %dma_start3A_306 = tpu.memref_slice %arg6[%dma_start3A_303, %dma_start3A_304, %dma_start3A_305] : memref<6x128x128xf32, #tpu.memory_space<vmem>> -> memref<1x128x128xf32, #tpu.memory_space<vmem>>
    %dma_start3A_307 = tpu.memref_squeeze %dma_start3A_306 : memref<1x128x128xf32, #tpu.memory_space<vmem>> -> memref<128x128xf32, #tpu.memory_space<vmem>>
    %dma_start3A_308 = arith.constant 0 : i32
    %dma_start3A_309 = tpu.memref_slice %arg4[%add3A_302, %dma_start3A_308] : memref<819200x128xf32, #tpu.memory_space<hbm>> -> memref<128x128xf32, #tpu.memory_space<hbm>>
    %dma_start3A_310 = arith.constant 0 : i32
    %dma_start3A_311 = tpu.memref_slice %arg4[%add3A_302, %dma_start3A_310] : memref<819200x128xf32, #tpu.memory_space<hbm>> -> memref<128x128xf32, #tpu.memory_space<hbm>>
    %dma_start3A_312 = arith.constant 0 : i32
    %dma_start3A_313 = arith.constant 0 : i32
    %dma_start3A_314 = tpu.memref_slice %arg6[%dma_start3A_303, %dma_start3A_312, %dma_start3A_313] : memref<6x128x128xf32, #tpu.memory_space<vmem>> -> memref<1x128x128xf32, #tpu.memory_space<vmem>>
    %dma_start3A_315 = tpu.memref_squeeze %dma_start3A_314 : memref<1x128x128xf32, #tpu.memory_space<vmem>> -> memref<128x128xf32, #tpu.memory_space<vmem>>
    tpu.enqueue_dma source(%dma_start3A_315 : memref<128x128xf32, #tpu.memory_space<vmem>>) target(%dma_start3A_311 : memref<128x128xf32, #tpu.memory_space<hbm>>) target_semaphore(%arg13 : memref<!tpu.dma_semaphore, #tpu.memory_space<semaphore_mem>>)
    %dma_wait3A_316 = arith.constant 0 : i32
    %dma_wait3A_317 = arith.constant 1 : i32
    %dma_wait3A_318 = arith.constant 0 : i32
    %dma_wait3A_319 = arith.constant 0 : i32
    %dma_wait3A_320 = tpu.memref_slice %arg6[%dma_wait3A_317, %dma_wait3A_318, %dma_wait3A_319] : memref<6x128x128xf32, #tpu.memory_space<vmem>> -> memref<1x128x128xf32, #tpu.memory_space<vmem>>
    %dma_wait3A_321 = tpu.memref_squeeze %dma_wait3A_320 : memref<1x128x128xf32, #tpu.memory_space<vmem>> -> memref<128x128xf32, #tpu.memory_space<vmem>>
    %dma_wait3A_322 = arith.constant 0 : i32
    %dma_wait3A_323 = tpu.memref_slice %arg5[%dma_wait3A_316, %dma_wait3A_322] : memref<200x128xi32, #tpu.memory_space<vmem>> -> memref<1x128xi32, #tpu.memory_space<vmem>>
    %dma_wait3A_324 = tpu.memref_squeeze %dma_wait3A_323 : memref<1x128xi32, #tpu.memory_space<vmem>> -> memref<128xi32, #tpu.memory_space<vmem>>
    %dma_wait3A_325 = arith.constant 0 : i32
    %dma_wait3A_326 = arith.constant 0 : i32
    %dma_wait3A_327 = tpu.memref_slice %arg2[%dma_wait3A_325, %dma_wait3A_326] : memref<100000x128xf32, #tpu.memory_space<hbm>> -> memref<100000x128xf32, #tpu.memory_space<hbm>>
    tpu.wait_indirect_dma semaphore(%arg8 : memref<!tpu.dma_semaphore, #tpu.memory_space<semaphore_mem>>) src(%dma_wait3A_327 : memref<100000x128xf32, #tpu.memory_space<hbm>>) dst(%dma_wait3A_321 : memref<128x128xf32, #tpu.memory_space<vmem>>)
    %add3A_328 = arith.constant 25472 : i32
    %add3A_329 = arith.addi %mul3A_2, %add3A_328 : i32
    %dma_start3A_330 = arith.constant 1 : i32
    %dma_start3A_331 = arith.constant 0 : i32
    %dma_start3A_332 = arith.constant 0 : i32
    %dma_start3A_333 = tpu.memref_slice %arg6[%dma_start3A_330, %dma_start3A_331, %dma_start3A_332] : memref<6x128x128xf32, #tpu.memory_space<vmem>> -> memref<1x128x128xf32, #tpu.memory_space<vmem>>
    %dma_start3A_334 = tpu.memref_squeeze %dma_start3A_333 : memref<1x128x128xf32, #tpu.memory_space<vmem>> -> memref<128x128xf32, #tpu.memory_space<vmem>>
    %dma_start3A_335 = arith.constant 0 : i32
    %dma_start3A_336 = tpu.memref_slice %arg4[%add3A_329, %dma_start3A_335] : memref<819200x128xf32, #tpu.memory_space<hbm>> -> memref<128x128xf32, #tpu.memory_space<hbm>>
    %dma_start3A_337 = arith.constant 0 : i32
    %dma_start3A_338 = tpu.memref_slice %arg4[%add3A_329, %dma_start3A_337] : memref<819200x128xf32, #tpu.memory_space<hbm>> -> memref<128x128xf32, #tpu.memory_space<hbm>>
    %dma_start3A_339 = arith.constant 0 : i32
    %dma_start3A_340 = arith.constant 0 : i32
    %dma_start3A_341 = tpu.memref_slice %arg6[%dma_start3A_330, %dma_start3A_339, %dma_start3A_340] : memref<6x128x128xf32, #tpu.memory_space<vmem>> -> memref<1x128x128xf32, #tpu.memory_space<vmem>>
    %dma_start3A_342 = tpu.memref_squeeze %dma_start3A_341 : memref<1x128x128xf32, #tpu.memory_space<vmem>> -> memref<128x128xf32, #tpu.memory_space<vmem>>
    tpu.enqueue_dma source(%dma_start3A_342 : memref<128x128xf32, #tpu.memory_space<vmem>>) target(%dma_start3A_338 : memref<128x128xf32, #tpu.memory_space<hbm>>) target_semaphore(%arg14 : memref<!tpu.dma_semaphore, #tpu.memory_space<semaphore_mem>>)
    %dma_wait3A_343 = arith.constant 2 : i32
    %dma_wait3A_344 = arith.constant 0 : i32
    %dma_wait3A_345 = arith.constant 0 : i32
    %dma_wait3A_346 = tpu.memref_slice %arg6[%dma_wait3A_343, %dma_wait3A_344, %dma_wait3A_345] : memref<6x128x128xf32, #tpu.memory_space<vmem>> -> memref<1x128x128xf32, #tpu.memory_space<vmem>>
    %dma_wait3A_347 = tpu.memref_squeeze %dma_wait3A_346 : memref<1x128x128xf32, #tpu.memory_space<vmem>> -> memref<128x128xf32, #tpu.memory_space<vmem>>
    %dma_wait3A_348 = arith.constant 0 : i32
    %dma_wait3A_349 = tpu.memref_slice %arg4[%mul3A_2, %dma_wait3A_348] : memref<819200x128xf32, #tpu.memory_space<hbm>> -> memref<128x128xf32, #tpu.memory_space<hbm>>
    %dma_wait3A_350 = arith.constant 0 : i32
    %dma_wait3A_351 = tpu.memref_slice %arg4[%mul3A_2, %dma_wait3A_350] : memref<819200x128xf32, #tpu.memory_space<hbm>> -> memref<128x128xf32, #tpu.memory_space<hbm>>
    %dma_wait3A_352 = arith.constant 0 : i32
    %dma_wait3A_353 = arith.constant 0 : i32
    %dma_wait3A_354 = tpu.memref_slice %arg6[%dma_wait3A_343, %dma_wait3A_352, %dma_wait3A_353] : memref<6x128x128xf32, #tpu.memory_space<vmem>> -> memref<1x128x128xf32, #tpu.memory_space<vmem>>
    %dma_wait3A_355 = tpu.memref_squeeze %dma_wait3A_354 : memref<1x128x128xf32, #tpu.memory_space<vmem>> -> memref<128x128xf32, #tpu.memory_space<vmem>>
    tpu.wait_dma2 semaphore(%arg15 : memref<!tpu.dma_semaphore, #tpu.memory_space<semaphore_mem>>) src(%dma_wait3A_355 : memref<128x128xf32, #tpu.memory_space<vmem>>) dst(%dma_wait3A_351 : memref<128x128xf32, #tpu.memory_space<hbm>>)
    %dma_wait3A_356 = arith.constant 3 : i32
    %dma_wait3A_357 = arith.constant 0 : i32
    %dma_wait3A_358 = arith.constant 0 : i32
    %dma_wait3A_359 = tpu.memref_slice %arg6[%dma_wait3A_356, %dma_wait3A_357, %dma_wait3A_358] : memref<6x128x128xf32, #tpu.memory_space<vmem>> -> memref<1x128x128xf32, #tpu.memory_space<vmem>>
    %dma_wait3A_360 = tpu.memref_squeeze %dma_wait3A_359 : memref<1x128x128xf32, #tpu.memory_space<vmem>> -> memref<128x128xf32, #tpu.memory_space<vmem>>
    %dma_wait3A_361 = arith.constant 0 : i32
    %dma_wait3A_362 = tpu.memref_slice %arg4[%mul3A_2, %dma_wait3A_361] : memref<819200x128xf32, #tpu.memory_space<hbm>> -> memref<128x128xf32, #tpu.memory_space<hbm>>
    %dma_wait3A_363 = arith.constant 0 : i32
    %dma_wait3A_364 = tpu.memref_slice %arg4[%mul3A_2, %dma_wait3A_363] : memref<819200x128xf32, #tpu.memory_space<hbm>> -> memref<128x128xf32, #tpu.memory_space<hbm>>
    %dma_wait3A_365 = arith.constant 0 : i32
    %dma_wait3A_366 = arith.constant 0 : i32
    %dma_wait3A_367 = tpu.memref_slice %arg6[%dma_wait3A_356, %dma_wait3A_365, %dma_wait3A_366] : memref<6x128x128xf32, #tpu.memory_space<vmem>> -> memref<1x128x128xf32, #tpu.memory_space<vmem>>
    %dma_wait3A_368 = tpu.memref_squeeze %dma_wait3A_367 : memref<1x128x128xf32, #tpu.memory_space<vmem>> -> memref<128x128xf32, #tpu.memory_space<vmem>>
    tpu.wait_dma2 semaphore(%arg16 : memref<!tpu.dma_semaphore, #tpu.memory_space<semaphore_mem>>) src(%dma_wait3A_368 : memref<128x128xf32, #tpu.memory_space<vmem>>) dst(%dma_wait3A_364 : memref<128x128xf32, #tpu.memory_space<hbm>>)
    %dma_wait3A_369 = arith.constant 4 : i32
    %dma_wait3A_370 = arith.constant 0 : i32
    %dma_wait3A_371 = arith.constant 0 : i32
    %dma_wait3A_372 = tpu.memref_slice %arg6[%dma_wait3A_369, %dma_wait3A_370, %dma_wait3A_371] : memref<6x128x128xf32, #tpu.memory_space<vmem>> -> memref<1x128x128xf32, #tpu.memory_space<vmem>>
    %dma_wait3A_373 = tpu.memref_squeeze %dma_wait3A_372 : memref<1x128x128xf32, #tpu.memory_space<vmem>> -> memref<128x128xf32, #tpu.memory_space<vmem>>
    %dma_wait3A_374 = arith.constant 0 : i32
    %dma_wait3A_375 = tpu.memref_slice %arg4[%mul3A_2, %dma_wait3A_374] : memref<819200x128xf32, #tpu.memory_space<hbm>> -> memref<128x128xf32, #tpu.memory_space<hbm>>
    %dma_wait3A_376 = arith.constant 0 : i32
    %dma_wait3A_377 = tpu.memref_slice %arg4[%mul3A_2, %dma_wait3A_376] : memref<819200x128xf32, #tpu.memory_space<hbm>> -> memref<128x128xf32, #tpu.memory_space<hbm>>
    %dma_wait3A_378 = arith.constant 0 : i32
    %dma_wait3A_379 = arith.constant 0 : i32
    %dma_wait3A_380 = tpu.memref_slice %arg6[%dma_wait3A_369, %dma_wait3A_378, %dma_wait3A_379] : memref<6x128x128xf32, #tpu.memory_space<vmem>> -> memref<1x128x128xf32, #tpu.memory_space<vmem>>
    %dma_wait3A_381 = tpu.memref_squeeze %dma_wait3A_380 : memref<1x128x128xf32, #tpu.memory_space<vmem>> -> memref<128x128xf32, #tpu.memory_space<vmem>>
    tpu.wait_dma2 semaphore(%arg17 : memref<!tpu.dma_semaphore, #tpu.memory_space<semaphore_mem>>) src(%dma_wait3A_381 : memref<128x128xf32, #tpu.memory_space<vmem>>) dst(%dma_wait3A_377 : memref<128x128xf32, #tpu.memory_space<hbm>>)
    %dma_wait3A_382 = arith.constant 5 : i32
    %dma_wait3A_383 = arith.constant 0 : i32
    %dma_wait3A_384 = arith.constant 0 : i32
    %dma_wait3A_385 = tpu.memref_slice %arg6[%dma_wait3A_382, %dma_wait3A_383, %dma_wait3A_384] : memref<6x128x128xf32, #tpu.memory_space<vmem>> -> memref<1x128x128xf32, #tpu.memory_space<vmem>>
    %dma_wait3A_386 = tpu.memref_squeeze %dma_wait3A_385 : memref<1x128x128xf32, #tpu.memory_space<vmem>> -> memref<128x128xf32, #tpu.memory_space<vmem>>
    %dma_wait3A_387 = arith.constant 0 : i32
    %dma_wait3A_388 = tpu.memref_slice %arg4[%mul3A_2, %dma_wait3A_387] : memref<819200x128xf32, #tpu.memory_space<hbm>> -> memref<128x128xf32, #tpu.memory_space<hbm>>
    %dma_wait3A_389 = arith.constant 0 : i32
    %dma_wait3A_390 = tpu.memref_slice %arg4[%mul3A_2, %dma_wait3A_389] : memref<819200x128xf32, #tpu.memory_space<hbm>> -> memref<128x128xf32, #tpu.memory_space<hbm>>
    %dma_wait3A_391 = arith.constant 0 : i32
    %dma_wait3A_392 = arith.constant 0 : i32
    %dma_wait3A_393 = tpu.memref_slice %arg6[%dma_wait3A_382, %dma_wait3A_391, %dma_wait3A_392] : memref<6x128x128xf32, #tpu.memory_space<vmem>> -> memref<1x128x128xf32, #tpu.memory_space<vmem>>
    %dma_wait3A_394 = tpu.memref_squeeze %dma_wait3A_393 : memref<1x128x128xf32, #tpu.memory_space<vmem>> -> memref<128x128xf32, #tpu.memory_space<vmem>>
    tpu.wait_dma2 semaphore(%arg18 : memref<!tpu.dma_semaphore, #tpu.memory_space<semaphore_mem>>) src(%dma_wait3A_394 : memref<128x128xf32, #tpu.memory_space<vmem>>) dst(%dma_wait3A_390 : memref<128x128xf32, #tpu.memory_space<hbm>>)
    %dma_wait3A_395 = arith.constant 0 : i32
    %dma_wait3A_396 = arith.constant 0 : i32
    %dma_wait3A_397 = arith.constant 0 : i32
    %dma_wait3A_398 = tpu.memref_slice %arg6[%dma_wait3A_395, %dma_wait3A_396, %dma_wait3A_397] : memref<6x128x128xf32, #tpu.memory_space<vmem>> -> memref<1x128x128xf32, #tpu.memory_space<vmem>>
    %dma_wait3A_399 = tpu.memref_squeeze %dma_wait3A_398 : memref<1x128x128xf32, #tpu.memory_space<vmem>> -> memref<128x128xf32, #tpu.memory_space<vmem>>
    %dma_wait3A_400 = arith.constant 0 : i32
    %dma_wait3A_401 = tpu.memref_slice %arg4[%mul3A_2, %dma_wait3A_400] : memref<819200x128xf32, #tpu.memory_space<hbm>> -> memref<128x128xf32, #tpu.memory_space<hbm>>
    %dma_wait3A_402 = arith.constant 0 : i32
    %dma_wait3A_403 = tpu.memref_slice %arg4[%mul3A_2, %dma_wait3A_402] : memref<819200x128xf32, #tpu.memory_space<hbm>> -> memref<128x128xf32, #tpu.memory_space<hbm>>
    %dma_wait3A_404 = arith.constant 0 : i32
    %dma_wait3A_405 = arith.constant 0 : i32
    %dma_wait3A_406 = tpu.memref_slice %arg6[%dma_wait3A_395, %dma_wait3A_404, %dma_wait3A_405] : memref<6x128x128xf32, #tpu.memory_space<vmem>> -> memref<1x128x128xf32, #tpu.memory_space<vmem>>
    %dma_wait3A_407 = tpu.memref_squeeze %dma_wait3A_406 : memref<1x128x128xf32, #tpu.memory_space<vmem>> -> memref<128x128xf32, #tpu.memory_space<vmem>>
    tpu.wait_dma2 semaphore(%arg13 : memref<!tpu.dma_semaphore, #tpu.memory_space<semaphore_mem>>) src(%dma_wait3A_407 : memref<128x128xf32, #tpu.memory_space<vmem>>) dst(%dma_wait3A_403 : memref<128x128xf32, #tpu.memory_space<hbm>>)
    %dma_wait3A_408 = arith.constant 1 : i32
    %dma_wait3A_409 = arith.constant 0 : i32
    %dma_wait3A_410 = arith.constant 0 : i32
    %dma_wait3A_411 = tpu.memref_slice %arg6[%dma_wait3A_408, %dma_wait3A_409, %dma_wait3A_410] : memref<6x128x128xf32, #tpu.memory_space<vmem>> -> memref<1x128x128xf32, #tpu.memory_space<vmem>>
    %dma_wait3A_412 = tpu.memref_squeeze %dma_wait3A_411 : memref<1x128x128xf32, #tpu.memory_space<vmem>> -> memref<128x128xf32, #tpu.memory_space<vmem>>
    %dma_wait3A_413 = arith.constant 0 : i32
    %dma_wait3A_414 = tpu.memref_slice %arg4[%mul3A_2, %dma_wait3A_413] : memref<819200x128xf32, #tpu.memory_space<hbm>> -> memref<128x128xf32, #tpu.memory_space<hbm>>
    %dma_wait3A_415 = arith.constant 0 : i32
    %dma_wait3A_416 = tpu.memref_slice %arg4[%mul3A_2, %dma_wait3A_415] : memref<819200x128xf32, #tpu.memory_space<hbm>> -> memref<128x128xf32, #tpu.memory_space<hbm>>
    %dma_wait3A_417 = arith.constant 0 : i32
    %dma_wait3A_418 = arith.constant 0 : i32
    %dma_wait3A_419 = tpu.memref_slice %arg6[%dma_wait3A_408, %dma_wait3A_417, %dma_wait3A_418] : memref<6x128x128xf32, #tpu.memory_space<vmem>> -> memref<1x128x128xf32, #tpu.memory_space<vmem>>
    %dma_wait3A_420 = tpu.memref_squeeze %dma_wait3A_419 : memref<1x128x128xf32, #tpu.memory_space<vmem>> -> memref<128x128xf32, #tpu.memory_space<vmem>>
    tpu.wait_dma2 semaphore(%arg14 : memref<!tpu.dma_semaphore, #tpu.memory_space<semaphore_mem>>) src(%dma_wait3A_420 : memref<128x128xf32, #tpu.memory_space<vmem>>) dst(%dma_wait3A_416 : memref<128x128xf32, #tpu.memory_space<hbm>>)
    return
  }
}

</mosaic_0001>

<sc_bundles>
// kernel: kernel.3.cloned.1.call-start
scs
__scs_entry_jumppad:
0x0: {  	(pc) =	sbr.rel $0x88, $3  }
0x1: {  	(tag) =	ssettag $0x0;
	lr =	simm.s32 $0x1  }
0x2: {  	[smem:$0x3F9F] =	sst lr;
	_ =	strace $0xD0000000  }
0x3: {  	_ = 	snop  }
0x4: {  	_ = 	snop  }
0x5: {  	_ = 	snop  }
0x6: {  	_ = 	snop  }
0x7: {  	_ = 	snop  }
__scs_overlays_trampoline_lowered:
0x8: {  	[smem:$0x3FAE] =	sst s0  }
0x9: {  	[smem:$0x3FAF] =	sst s1  }
0xa: {  	[smem:$0x3FB0] =	sst s2  }
0xb: {  	[smem:$0x3FB1] =	sst s3  }
0xc: {  	[smem:$0x3FB2] =	sst s4  }
0xd: {  	[smem:$0x3FB3] =	sst s5  }
0xe: {  	[smem:$0x3FB4] =	sst s6  }
0xf: {  	[smem:$0x3FB5] =	sst s7  }
0x10: {  	[smem:$0x3FB6] =	sst s8  }
0x11: {  	[smem:$0x3FB7] =	sst s9;
	s0 =	simm.s32 @!p0 $0x0  }
0x12: {  	s1 =	sld [smem:$0x3F9D];
	s0 =	simm.s32 @p0 $0x1  }
0x13: {  	[smem:$0x3FB8] =	sst s0;
	s0 =	simm.s32 @!p1 $0x0  }
0x14: {  	s2 =	sld [smem:$0x3F9C];
	s0 =	simm.s32 @p1 $0x1  }
0x15: {  	[smem:$0x3FB9] =	sst s0;
	s0 =	simm.s32 @!p2 $0x0  }
0x16: {  	s3 =	sld [smem:$0x3FDB];
	s0 =	simm.s32 @p2 $0x1  }
0x17: {  	s4 =	simm.s32 $0x1BF5;
	[smem:$0x3FBB] =	sst s0  }
0x18: {  	s0 =	sld [smem:$0x3F9E];
	_ =	swait.ge [sflag:s4], $0x0  }
0x19: {  	s7 =	sld [smem:$0x3F9F]  }
0x1a: {  	s8 =	sadd.s32 $0xFFFFE003, lr  }
0x1b: {  	s9 =	sadd.s32 $0xFFFFFEF7, lr;
	s5 =	simm.s32 $0xFFFFFFFF;
	p2 =	slt.u32 s8, $0xFFFFF086  }
0x1c: {  	p1 =	slt.u32 s9, $0xF7A;
	s5 =	simm.s32 @!p2 $0x0  }
0x1d: {  	s5 =	simm.s32 @p1 $0x1;
	p0 =	seq.s32 s7, s2  }
0x1e: {  	s7 =	smul.u32 @!p0 $0xF7A, s2;
	p2 =	seq.s32 @!p0 s5, $0x0  }
0x1f: {  	s9 =	smul.u32 $0xF7A, s1;
	s8 =	simm.s32 @!p0 $0x1BF5;
	p2 =	por !p2, p0  }
0x20: {  	[sflag:s8] =	ssyncset.s32 @!p0 $0xFFFFF086;
	s6 =	sadd.s32 @!p0 s3, s7;
	s7 =	simm.s32 @!p0 $0x108  }
0x21: {  	s3 =	sadd.s32 s3, s9;
	s6 =	sadd.s32 @!p0 $0x88, s6;
	s7 =	simm.s32 @p2 $0x1082  }
0x22: {  	[simem:s7], [sflag:s8] =	dma.local @!p0 [hbm:s6], $0xF7A  }
0x23: {  	s9 =	sor.u32 $0xD0000000, s2;
	s6 =	simm.s32 $0x108;
	_ =	swait.ge @!p0 [sflag:s8], $0x0  }
0x24: {  	s3 =	sadd.s32 $0x88, s3;
	s6 =	simm.s32 @!p1 $0x1082;
	[sflag:s4] =	ssyncset.s32 $0xFFFFF086  }
0x25: {  	[simem:s6], [sflag:s4] =	dma.local [hbm:s3], $0xF7A  }
0x26: {  	[smem:$0x3F9F] =	sst s1;
	(tag) =	ssettag s2;
	_ =	strace s9  }
0x27: {  	s1 =	sld [smem:$0x3FAF]  }
0x28: {  	s2 =	sld [smem:$0x3FB0]  }
0x29: {  	s4 =	sld [smem:$0x3FB2]  }
0x2a: {  	p0 =	seq.s32 s5, $0x0;
	s5 =	sld [smem:$0x3FB3]  }
0x2b: {  	s6 =	sld [smem:$0x3FB4]  }
0x2c: {  	s7 =	sld [smem:$0x3FB5]  }
0x2d: {  	s3 =	simm.s32 $0x108;
	s8 =	sld [smem:$0x3FB6]  }
0x2e: {  	s3 =	simm.s32 @!p0 $0x1082;
	s9 =	sld [smem:$0x3FB7]  }
0x2f: {  	lr =	sadd.s32 s0, s3;
	s0 =	sld [smem:$0x3FAE]  }
0x30: {  	s3 =	sld [smem:$0x3FB1]  }
0x31: {  	[smem:$0x3FBA] =	sst s10  }
0x32: {  	s10 =	sld [smem:$0x3FB8];
	_ =	sdelay $0x3  }
0x33: {  	p0 =	seq.s32 s10, $0x1;
	s10 =	sld [smem:$0x3FBA];
	_ =	sdelay $0x3  }
0x34: {  	[smem:$0x3FBA] =	sst s10  }
0x35: {  	s10 =	sld [smem:$0x3FB9];
	_ =	sdelay $0x3  }
0x36: {  	p1 =	seq.s32 s10, $0x1;
	s10 =	sld [smem:$0x3FBA];
	_ =	sdelay $0x3  }
0x37: {  	[smem:$0x3FBA] =	sst s10  }
0x38: {  	s10 =	sld [smem:$0x3FBB]  }
0x39: {  	_ = 	snop;
	(pc) =	sbr.ind lr, $3  }
0x3a: {  	_ = 	snop  }
0x3b: {  	_ = 	snop  }
0x3c: {  	p2 =	seq.s32 s10, $0x1;
	s10 =	sld [smem:$0x3FBA]  }
0x3d: {  	_ =	shalt  }
0x3e: {  	_ =	shalt  }
0x3f: {  	_ =	shalt  }
0x40: {  	_ =	shalt  }
0x41: {  	_ =	shalt  }
0x42: {  	_ =	shalt  }
0x43: {  	_ =	shalt  }
0x44: {  	_ =	shalt  }
0x45: {  	_ =	shalt  }
0x46: {  	_ =	shalt  }
0x47: {  	_ =	shalt  }
0x48: {  	_ =	shalt  }
0x49: {  	_ =	shalt  }
0x4a: {  	_ =	shalt  }
0x4b: {  	_ =	shalt  }
0x4c: {  	_ =	shalt  }
0x4d: {  	_ =	shalt  }
0x4e: {  	_ =	shalt  }
0x4f: {  	_ =	shalt  }
0x50: {  	_ =	shalt  }
0x51: {  	_ =	shalt  }
0x52: {  	_ =	shalt  }
0x53: {  	_ =	shalt  }
0x54: {  	_ =	shalt  }
0x55: {  	_ =	shalt  }
0x56: {  	_ =	shalt  }
0x57: {  	_ =	shalt  }
0x58: {  	_ =	shalt  }
0x59: {  	_ =	shalt  }
0x5a: {  	_ =	shalt  }
0x5b: {  	_ =	shalt  }
0x5c: {  	_ =	shalt  }
0x5d: {  	_ =	shalt  }
0x5e: {  	_ =	shalt  }
0x5f: {  	_ =	shalt  }
0x60: {  	_ =	shalt  }
0x61: {  	_ =	shalt  }
0x62: {  	_ =	shalt  }
0x63: {  	_ =	shalt  }
0x64: {  	_ =	shalt  }
0x65: {  	_ =	shalt  }
0x66: {  	_ =	shalt  }
0x67: {  	_ =	shalt  }
0x68: {  	_ =	shalt  }
0x69: {  	_ =	shalt  }
0x6a: {  	_ =	shalt  }
0x6b: {  	_ =	shalt  }
0x6c: {  	_ =	shalt  }
0x6d: {  	_ =	shalt  }
0x6e: {  	_ =	shalt  }
0x6f: {  	_ =	shalt  }
0x70: {  	_ =	shalt  }
0x71: {  	_ =	shalt  }
0x72: {  	_ =	shalt  }
0x73: {  	_ =	shalt  }
0x74: {  	_ =	shalt  }
0x75: {  	_ =	shalt  }
0x76: {  	_ =	shalt  }
0x77: {  	_ =	shalt  }
0x78: {  	_ =	shalt  }
0x79: {  	_ =	shalt  }
0x7a: {  	_ =	shalt  }
0x7b: {  	_ =	shalt  }
0x7c: {  	_ =	shalt  }
0x7d: {  	_ =	shalt  }
0x7e: {  	_ =	shalt  }
0x7f: {  	_ =	shalt  }
0x80: {  	_ =	shalt  }
0x81: {  	_ =	shalt  }
0x82: {  	_ =	shalt  }
0x83: {  	_ =	shalt  }
0x84: {  	_ =	shalt  }
0x85: {  	_ =	shalt  }
0x86: {  	_ =	shalt  }
0x87: {  	_ =	shalt  }
.Lfunc_end0:
.L_simem_size_0:
called_computation_lowered:
.L_overlay_start_0:
0x88: {  	s2 =	sld [smem:$0x3FD9]  }
0x89: {  	s3 =	sld [smem:$0x3FFE];
	_ =	sdelay $0x1  }
0x8a: {  	s1 =	srdreg.scid  }
0x8b: {  	s0 =	sand.u32 $0x1, s1  }
0x8c: {  	s17 =	sshll.u32 s0, $0xA;
	s2 =	sadd.s32 s3, s2  }
0x8d: {  	s2 =	sadd.s32 s2, s17  }
0x8e: {  	[smem:$0x3FC6] =	sst s2  }
0x8f: {  	_ = 	snop  }
0x90: {  	s2 =	sld [smem:$0x3FC8]  }
0x91: {  	s18 =	sld [smem:$0x3FD0];
	(tm) =	ssettm $0x1  }
0x92: {  	s4 =	sld [smem:$0x3FFB];
	_ =	sdelay $0x3  }
0x93: {  	_ =	strace s4  }
0x94: {  	s4 =	sld [smem:$0x3FFC];
	_ =	sdelay $0x3  }
0x95: {  	_ =	strace s4  }
0x96: {  	s4 =	sld [smem:$0x3FFD];
	_ =	sdelay $0x3  }
0x97: {  	_ =	strace s4  }
0x98: {  	_ =	strace $0x8FFFFFFF  }
0x99: {  	s19 =	sld [smem:$0x3FDB];
	_ =	sdelay $0x1  }
0x9a: {  	s5 =	simm.s32 $_scs_section_size  }
0x9b: {  	s6 =	simm.s32 $_size__tile_overlayer_lowered;
	s7 =	simm.s32 $_tile_overlayer_lowered  }
0x9c: {  	s22 =	simm.s32 $0x1BFF;
	s21 =	sshll.u32 s7, $0x1;
	s4 =	sadd.s32 s5, s19  }
0x9d: {  	s8 =	simm.s32 $0x0;
	s20 =	sshll.u32 s6, $0x1;
	s6 =	sadd.s32 s21, s4  }
0x9e: {  	[timem:s8], [sflag:s22] =	dma.local [hbm:s6], s20  }
0x9f: {  	_ =	swait.ge [sflag:s22], s20  }
0xa0: {  	s5 =	ssub.s32 $0x0, s20;
	[sflag:s22] =	ssyncset.done $0x0  }
0xa1: {  	[sflag:s22] =	ssyncadd.s32 s5;
	_ =	sdelay $0x1  }
0xa2: {  	s23 =	simm.s32 $0x1B8B  }
0xa3: {  	_ =	swait.ge [sflag:s23], $0x1  }
0xa4: {  	[sflag:s23] =	ssyncset.done $0x0  }
0xa5: {  	s25 =	simm.s32 $0x1B8E;
	s24 =	sld [smem:$0x3FFE];
	[sflag:s23] =	ssyncadd.s32 $0xFFFFFFFF  }
0xa6: {  	s26 =	simm.s32 $execute0_lowered;
	[smem:$0x3FD2] =	sst s25  }
0xa7: {  	s6 =	sshll.u32 s26, $0x1;
	_ =	strace $0x80000046;
	[dreg:$0x1] =	wrdreg $0xFFFFFFFF  }
0xa8: {  	s28 =	simm.s32 $_size_execute0_lowered;
	s4 =	sadd.s32 s4, s6;
	[dreg:$0x0] =	wrdreg $0x0  }
0xa9: {  	s6 =	sshll.u32 s28, $0x1;
	[dreg:$0x2] =	wrdreg s4  }
0xaa: {  	[dreg:$0x3] =	wrdreg s6  }
0xab: {  	[dreg:$0x4] =	wrdreg $0xC0  }
0xac: {  	_ =	task [dreg:s8], $0x5FFFF  }
0xad: {  	[dreg:$0x1] =	wrdreg $0xFFFFFFFF  }
0xae: {  	[dreg:$0x0] =	wrdreg $0x60  }
0xaf: {  	[dreg:$0x2] =	wrdreg s2  }
0xb0: {  	[dreg:$0x3] =	wrdreg s24  }
0xb1: {  	[dreg:$0x4] =	wrdreg s18  }
0xb2: {  	[dreg:$0x5] =	wrdreg $0x9  }
0xb3: {  	_ =	task.clear_ibuf [dreg:s8], $0x6FFFF;
	_ =	strace $0x90000046  }
0xb4: {  	s29 =	simm.s32 $0x9;
	_ =	strace $0x80000048  }
0xb5: {  	_ =	swait.ge [sflag:s29], $0x1  }
0xb6: {  	[sflag:s29] =	ssyncadd.s32 $0xFFFFFFFF  }
0xb7: {  	_ =	strace $0x90000048  }
0xb8: {  	_ =	sfence  }
0xb9: {  	s30 =	sld [smem:$0x0];
	_ =	sdelay $0x2  }
0xba: {  	s31 =	sshll.u32 s1, $0xD;
	s1 =	sshrl.u32 s1, $0x2  }
0xbb: {  	s3 =	sand.u32 $0x4000, s31;
	s1 =	sadd.s32 s1, s30  }
0xbc: {  	s0 =	sor.u32 s3, s0;
	s1 =	sshll.u32 s1, $0x11  }
0xbd: {  	s0 =	sor.u32 s1, s0  }
0xbe: {  	s0 =	sadd.s32 $0x8F2B, s0  }
0xbf: {  	[sflag:s0] =	ssyncadd.remote.s32 $0x1  }
0xc0: {  	_ =	sfence.sel $0xFFFF  }
0xc1: {  	[dreg:$0x0] =	wrdreg $0xFFFFFFFF;
	(pc) =	sbr.abs _section_cstart, $3  }
0xc2: {  	[dreg:$0x1] =	wrdreg $0xFFFFFFFF  }
0xc3: {  	_ =	task.clear_ibuf [dreg:s8], $0x2FFFF;
	_ =	strace $0x9FFFFFFF  }
0xc4: {  	(tm) =	ssettm $0x7FFFFFFF  }
0xc5: {  	_ =	shalt  }
tec
execute0_lowered:
.L_overlay_start_1:
0x0: {  	(tag) =	ssettag $0x1  }
0x1: {  	s1 =	rddreg [dreg:$0x0]  }
0x2: {  	s0 =	rddreg [dreg:$0x1]  }
0x3: {  	s2 =	srdreg.scid;
	s9 =	stileid.u32  }
0x4: {  	s4 =	rddreg [dreg:$0x2];
	s3 =	simm.s32 $0x0;
	s15 =	simm.s32 $0xD  }
0x5: {  	s16 =	simm.s32 $0x80;
	s17 =	simm.s32 $0x6400;
	s18 =	simm.s32 $0xA400  }
0x6: {  	s2 =	sand.u32 $0x1, s2;
	s5 =	sshll.u32 s9, $0x1;
	s21 =	smul.u32 $0xC8000, s9  }
0x7: {  	s5 =	sor.u32 s2, s5;
	s7 =	ssub.s32 $0x2, s2;
	s2 =	smul.u32 $0x64000, s2  }
0x8: {  	s28 =	simm.s32 $0x1;
	s29 =	simm.s32 $0x7;
	s6 =	smul.u32 $0x6400, s5  }
0x9: {  	s30 =	simm.s32 $0x2;
	[smem:$0x7FF] =	sst s3;
	s8 =	smul.u32 $0x320000, s5  }
0xa: {  	s31 =	simm.s32 $0x8;
	_ =	strace $0x80000047;
	s5 =	smul.u32 $0x64000, s5  }
0xb: {  	s19 =	sshrl.u32 s7, $0x1;
	s6 =	sshrl.u32 s6, $0x3;
	s20 =	sshrl.u32 s8, $0x3  }
0xc: {  	s5 =	sadd.s32 s4, s5;
	s0 =	sadd.s32 s6, s0;
	s6 =	ssub.s32 s7, s19  }
0xd: {  	[dreg:$0x5] =	wrdreg s5;
	s19 =	simm.s32 $0x4;
	s5 =	simm.s32 $0xC  }
0xe: {  	s0 =	sadd.s32 $0x400, s0;
	s13 =	smax.u32 s6, $0x1;
	s6 =	simm.s32 $0x0  }
0xf: {  	[dreg:$0x4] =	wrdreg s0;
	s0 =	sadd.s32 s4, s20;
	s4 =	sadd.s32 s21, s4  }
0x10: {  	s20 =	simm.s32 $0xE400;
	s21 =	simm.s32 $0xA;
	s22 =	sadd.s32 $0x60800, s0  }
0x11: {  	s23 =	sadd.s32 $0x61000, s0;
	s24 =	sadd.s32 $0x61800, s0;
	[dreg:$0x6] =	wrdreg s22  }
0x12: {  	s25 =	sadd.s32 $0x62000, s0;
	s26 =	sadd.s32 $0x62800, s0;
	[dreg:$0x7] =	wrdreg s23  }
0x13: {  	s11 =	sadd.s32 $0x63000, s0;
	s2 =	sadd.s32 s2, s4;
	[dreg:$0x8] =	wrdreg s24  }
0x14: {  	s12 =	sadd.s32 $0x63800, s0;
	s0 =	simm.s32 $0x9;
	[dreg:$0x9] =	wrdreg s25  }
0x15: {  	s4 =	simm.s32 $0x6;
	[dreg:$0xa] =	wrdreg s26;
	s14 =	sadd.s32 $0x1800, s2  }
0x16: {  	s22 =	simm.s32 $0x12400;
	s24 =	simm.s32 $0x16400;
	s26 =	simm.s32 $0x1A400  }
0x17: {  	s2 =	simm.s32 $0x3;
	s23 =	simm.s32 $0x5;
	s25 =	simm.s32 $0xB  }
.LBB2_1:
0x18: {  	s7 =	rddreg [dreg:$0x4]  }
0x19: {  	[tilespmem:s3], [sflag:$0xD] =	stream.linear.gather [hbm4b:s7+s3], $0x6400, $0x38;
	[tilespmem:$0x1E400] =	vst v63  }
0x1a: {  	_ =	swait.ge [sflag:s15], $0x6400  }
0x1b: {  	[sflag:s15] =	ssyncset.done $0x0  }
0x1c: {  	[sflag:s15] =	ssyncadd.s32 $0xFFFF9C00  }
0x1d: {  	[tilespmem:s17], [sflag:$0x1] =	stream.indirect.gather [hbm4b:s1+s16], $0x80, s3, s16, $0xb8;
	[tilespmem:$0x1E400] =	vst v63  }
0x1e: {  	_ = 	snop  }
0x1f: {  	[tilespmem:s18], [sflag:$0x2] =	stream.indirect.gather [hbm4b:s1+s16], $0x80, s16, s16, $0xb8;
	[tilespmem:$0x1E400] =	vst v63  }
0x20: {  	s8 =	simm.s32 $0x100  }
0x21: {  	[tilespmem:s20], [sflag:$0x3] =	stream.indirect.gather [hbm4b:s1+s16], $0x80, s8, s16, $0xb8;
	[tilespmem:$0x1E400] =	vst v63  }
0x22: {  	s9 =	simm.s32 $0x180  }
0x23: {  	[tilespmem:s22], [sflag:$0x4] =	stream.indirect.gather [hbm4b:s1+s16], $0x80, s9, s16, $0xb8;
	[tilespmem:$0x1E400] =	vst v63  }
0x24: {  	s10 =	simm.s32 $0x200  }
0x25: {  	[tilespmem:s24], [sflag:$0x5] =	stream.indirect.gather [hbm4b:s1+s16], $0x80, s10, s16, $0xb8;
	[tilespmem:$0x1E400] =	vst v63  }
0x26: {  	s8 =	simm.s32 $0x280  }
0x27: {  	[tilespmem:s26], [sflag:$0x6] =	stream.indirect.gather [hbm4b:s1+s16], $0x80, s8, s16, $0xb8;
	[tilespmem:$0x1E400] =	vst v63  }
0x28: {  	_ =	swait.ge [sflag:s28], $0x4000  }
0x29: {  	[sflag:s28] =	ssyncset.done $0x0  }
0x2a: {  	s9 =	rddreg [dreg:$0x5];
	[sflag:s28] =	ssyncadd.s32 $0xFFFFC000  }
0x2b: {  	[hbm4b:s9+s3] =	stream.linear.scatter [tilespmem:s17], [sflag:$0x7], $0x4000, $0x38;
	[tilespmem:$0x1E400] =	vst v63  }
0x2c: {  	_ =	swait.ge [sflag:s29], $0x4000  }
0x2d: {  	[sflag:s29] =	ssyncset.done $0x0  }
0x2e: {  	s10 =	simm.s32 $0x300;
	[sflag:s29] =	ssyncadd.s32 $0xFFFFC000  }
0x2f: {  	[tilespmem:s17], [sflag:$0x1] =	stream.indirect.gather [hbm4b:s1+s16], $0x80, s10, s16, $0xb8;
	[tilespmem:$0x1E400] =	vst v63  }
0x30: {  	_ =	swait.ge [sflag:s30], $0x4000  }
0x31: {  	[sflag:s30] =	ssyncset.done $0x0  }
0x32: {  	s8 =	sadd.s32 $0xFFFFF000, s14;
	[sflag:s30] =	ssyncadd.s32 $0xFFFFC000  }
0x33: {  	[hbm4b:s8+s3] =	stream.linear.scatter [tilespmem:s18], [sflag:$0x8], $0x4000, $0x38;
	[tilespmem:$0x1E400] =	vst v63  }
0x34: {  	_ =	swait.ge [sflag:s31], $0x4000  }
0x35: {  	[sflag:s31] =	ssyncset.done $0x0  }
0x36: {  	s9 =	simm.s32 $0x380;
	[sflag:s31] =	ssyncadd.s32 $0xFFFFC000  }
0x37: {  	[tilespmem:s18], [sflag:$0x2] =	stream.indirect.gather [hbm4b:s1+s16], $0x80, s9, s16, $0xb8;
	[tilespmem:$0x1E400] =	vst v63  }
0x38: {  	_ =	swait.ge [sflag:s2], $0x4000  }
0x39: {  	[sflag:s2] =	ssyncset.done $0x0  }
0x3a: {  	s10 =	sadd.s32 $0xFFFFF800, s14;
	[sflag:s2] =	ssyncadd.s32 $0xFFFFC000  }
0x3b: {  	[hbm4b:s10+s3] =	stream.linear.scatter [tilespmem:s20], [sflag:$0x9], $0x4000, $0x38;
	[tilespmem:$0x1E400] =	vst v63  }
0x3c: {  	_ =	swait.ge [sflag:s0], $0x4000  }
0x3d: {  	[sflag:s0] =	ssyncset.done $0x0  }
0x3e: {  	s8 =	simm.s32 $0x400;
	[sflag:s0] =	ssyncadd.s32 $0xFFFFC000  }
0x3f: {  	[tilespmem:s20], [sflag:$0x3] =	stream.indirect.gather [hbm4b:s1+s16], $0x80, s8, s16, $0xb8;
	[tilespmem:$0x1E400] =	vst v63  }
0x40: {  	_ =	swait.ge [sflag:s19], $0x4000  }
0x41: {  	[sflag:s19] =	ssyncset.done $0x0  }
0x42: {  	[sflag:s19] =	ssyncadd.s32 $0xFFFFC000  }
0x43: {  	[hbm4b:s14+s3] =	stream.linear.scatter [tilespmem:s22], [sflag:$0xA], $0x4000, $0x38;
	[tilespmem:$0x1E400] =	vst v63  }
0x44: {  	_ =	swait.ge [sflag:s21], $0x4000  }
0x45: {  	[sflag:s21] =	ssyncset.done $0x0  }
0x46: {  	s9 =	simm.s32 $0x480;
	[sflag:s21] =	ssyncadd.s32 $0xFFFFC000  }
0x47: {  	[tilespmem:s22], [sflag:$0x4] =	stream.indirect.gather [hbm4b:s1+s16], $0x80, s9, s16, $0xb8;
	[tilespmem:$0x1E400] =	vst v63  }
0x48: {  	_ =	swait.ge [sflag:s23], $0x4000  }
0x49: {  	[sflag:s23] =	ssyncset.done $0x0  }
0x4a: {  	s10 =	sadd.s32 $0x800, s14;
	[sflag:s23] =	ssyncadd.s32 $0xFFFFC000  }
0x4b: {  	[hbm4b:s10+s3] =	stream.linear.scatter [tilespmem:s24], [sflag:$0xB], $0x4000, $0x38;
	[tilespmem:$0x1E400] =	vst v63  }
0x4c: {  	_ =	swait.ge [sflag:s25], $0x4000  }
0x4d: {  	[sflag:s25] =	ssyncset.done $0x0  }
0x4e: {  	s8 =	simm.s32 $0x500;
	[sflag:s25] =	ssyncadd.s32 $0xFFFFC000  }
0x4f: {  	[tilespmem:s24], [sflag:$0x5] =	stream.indirect.gather [hbm4b:s1+s16], $0x80, s8, s16, $0xb8;
	[tilespmem:$0x1E400] =	vst v63  }
0x50: {  	_ =	swait.ge [sflag:s4], $0x4000  }
0x51: {  	[sflag:s4] =	ssyncset.done $0x0  }
0x52: {  	s9 =	sadd.s32 $0x1000, s14;
	[sflag:s4] =	ssyncadd.s32 $0xFFFFC000  }
0x53: {  	[hbm4b:s9+s3] =	stream.linear.scatter [tilespmem:s26], [sflag:$0xC], $0x4000, $0x38;
	[tilespmem:$0x1E400] =	vst v63  }
0x54: {  	_ =	swait.ge [sflag:s5], $0x4000  }
0x55: {  	[sflag:s5] =	ssyncset.done $0x0  }
0x56: {  	s10 =	simm.s32 $0x580;
	[sflag:s5] =	ssyncadd.s32 $0xFFFFC000  }
0x57: {  	[tilespmem:s26], [sflag:$0x6] =	stream.indirect.gather [hbm4b:s1+s16], $0x80, s10, s16, $0xb8;
	[tilespmem:$0x1E400] =	vst v63  }
0x58: {  	_ =	swait.ge [sflag:s28], $0x4000  }
0x59: {  	s7 =	simm.s32 $0xC00;
	[sflag:s28] =	ssyncset.done $0x0  }
0x5a: {  	s8 =	sadd.s32 $0x3000, s14;
	s9 =	sadd.s32 $0x1800, s14;
	[sflag:s28] =	ssyncadd.s32 $0xFFFFC000  }
.LBB2_2:
0x5b: {  	[hbm4b:s9+s3] =	stream.linear.scatter [tilespmem:s17], [sflag:$0x7], $0x4000, $0x38;
	[tilespmem:$0x1E400] =	vst v63  }
0x5c: {  	s9 =	smov.u32 s7  }
0x5d: {  	p0 =	sne.s32 s7, $0x17400;
	s7 =	sadd.s32 $0xC00, s7;
	_ =	swait.ge [sflag:s29], $0x4000  }
0x5e: {  	s9 =	sshra.s32 s9, $0x2;
	[sflag:s29] =	ssyncset.done $0x0  }
0x5f: {  	s10 =	sadd.s32 $0x300, s9;
	[sflag:s29] =	ssyncadd.s32 $0xFFFFC000  }
0x60: {  	[tilespmem:s17], [sflag:$0x1] =	stream.indirect.gather [hbm4b:s1+s16], $0x80, s10, s16, $0xb8;
	[tilespmem:$0x1E400] =	vst v63  }
0x61: {  	_ =	swait.ge [sflag:s30], $0x4000  }
0x62: {  	[sflag:s30] =	ssyncset.done $0x0  }
0x63: {  	s10 =	sadd.s32 $0xFFFFF000, s8;
	[sflag:s30] =	ssyncadd.s32 $0xFFFFC000  }
0x64: {  	[hbm4b:s10+s3] =	stream.linear.scatter [tilespmem:s18], [sflag:$0x8], $0x4000, $0x38;
	[tilespmem:$0x1E400] =	vst v63  }
0x65: {  	_ =	swait.ge [sflag:s31], $0x4000  }
0x66: {  	[sflag:s31] =	ssyncset.done $0x0  }
0x67: {  	s10 =	sadd.s32 $0x380, s9;
	[sflag:s31] =	ssyncadd.s32 $0xFFFFC000  }
0x68: {  	[tilespmem:s18], [sflag:$0x2] =	stream.indirect.gather [hbm4b:s1+s16], $0x80, s10, s16, $0xb8;
	[tilespmem:$0x1E400] =	vst v63  }
0x69: {  	_ =	swait.ge [sflag:s2], $0x4000  }
0x6a: {  	[sflag:s2] =	ssyncset.done $0x0  }
0x6b: {  	s10 =	sadd.s32 $0xFFFFF800, s8;
	[sflag:s2] =	ssyncadd.s32 $0xFFFFC000  }
0x6c: {  	[hbm4b:s10+s3] =	stream.linear.scatter [tilespmem:s20], [sflag:$0x9], $0x4000, $0x38;
	[tilespmem:$0x1E400] =	vst v63  }
0x6d: {  	_ =	swait.ge [sflag:s0], $0x4000  }
0x6e: {  	[sflag:s0] =	ssyncset.done $0x0  }
0x6f: {  	s10 =	sadd.s32 $0x400, s9;
	[sflag:s0] =	ssyncadd.s32 $0xFFFFC000  }
0x70: {  	[tilespmem:s20], [sflag:$0x3] =	stream.indirect.gather [hbm4b:s1+s16], $0x80, s10, s16, $0xb8;
	[tilespmem:$0x1E400] =	vst v63  }
0x71: {  	_ =	swait.ge [sflag:s19], $0x4000  }
0x72: {  	[sflag:s19] =	ssyncset.done $0x0  }
0x73: {  	[sflag:s19] =	ssyncadd.s32 $0xFFFFC000  }
0x74: {  	[hbm4b:s8+s3] =	stream.linear.scatter [tilespmem:s22], [sflag:$0xA], $0x4000, $0x38;
	[tilespmem:$0x1E400] =	vst v63  }
0x75: {  	_ =	swait.ge [sflag:s21], $0x4000  }
0x76: {  	[sflag:s21] =	ssyncset.done $0x0  }
0x77: {  	s10 =	sadd.s32 $0x480, s9;
	[sflag:s21] =	ssyncadd.s32 $0xFFFFC000  }
0x78: {  	[tilespmem:s22], [sflag:$0x4] =	stream.indirect.gather [hbm4b:s1+s16], $0x80, s10, s16, $0xb8;
	[tilespmem:$0x1E400] =	vst v63  }
0x79: {  	_ =	swait.ge [sflag:s23], $0x4000  }
0x7a: {  	[sflag:s23] =	ssyncset.done $0x0  }
0x7b: {  	s10 =	sadd.s32 $0x800, s8;
	[sflag:s23] =	ssyncadd.s32 $0xFFFFC000  }
0x7c: {  	[hbm4b:s10+s3] =	stream.linear.scatter [tilespmem:s24], [sflag:$0xB], $0x4000, $0x38;
	[tilespmem:$0x1E400] =	vst v63  }
0x7d: {  	_ =	swait.ge [sflag:s25], $0x4000  }
0x7e: {  	[sflag:s25] =	ssyncset.done $0x0  }
0x7f: {  	s10 =	sadd.s32 $0x500, s9;
	[sflag:s25] =	ssyncadd.s32 $0xFFFFC000  }
0x80: {  	[tilespmem:s24], [sflag:$0x5] =	stream.indirect.gather [hbm4b:s1+s16], $0x80, s10, s16, $0xb8;
	[tilespmem:$0x1E400] =	vst v63  }
0x81: {  	_ =	swait.ge [sflag:s4], $0x4000  }
0x82: {  	[sflag:s4] =	ssyncset.done $0x0  }
0x83: {  	s10 =	sadd.s32 $0x1000, s8;
	[sflag:s4] =	ssyncadd.s32 $0xFFFFC000  }
0x84: {  	[hbm4b:s10+s3] =	stream.linear.scatter [tilespmem:s26], [sflag:$0xC], $0x4000, $0x38;
	[tilespmem:$0x1E400] =	vst v63  }
0x85: {  	_ =	swait.ge [sflag:s5], $0x4000  }
0x86: {  	[sflag:s5] =	ssyncset.done $0x0  }
.Ltmp0:
0x87: {  	s9 =	sadd.s32 $0x580, s9;
	[sflag:s5] =	ssyncadd.s32 $0xFFFFC000;
	(pc) =	sbr.rel @p0 .LBB2_2-.Ltmp0, $4  }
0x88: {  	[tilespmem:s26], [sflag:$0x6] =	stream.indirect.gather [hbm4b:s1+s16], $0x80, s9, s16, $0xb8;
	[tilespmem:$0x1E400] =	vst v63  }
0x89: {  	_ =	swait.ge [sflag:s28], $0x4000  }
0x8a: {  	[sflag:s28] =	ssyncset.done $0x0  }
0x8b: {  	s9 =	sadd.s32 $0x1800, s8;
	s8 =	sadd.s32 $0x3000, s8;
	[sflag:s28] =	ssyncadd.s32 $0xFFFFC000  }
0x8c: {  	[hbm4b:s9+s3] =	stream.linear.scatter [tilespmem:s17], [sflag:$0x7], $0x4000, $0x38;
	[tilespmem:$0x1E400] =	vst v63  }
0x8d: {  	_ =	swait.ge [sflag:s29], $0x4000  }
0x8e: {  	[sflag:s29] =	ssyncset.done $0x0  }
0x8f: {  	s7 =	simm.s32 $0x6300;
	[sflag:s29] =	ssyncadd.s32 $0xFFFFC000  }
0x90: {  	[tilespmem:s17], [sflag:$0x1] =	stream.indirect.gather [hbm4b:s1+s16], $0x80, s7, s16, $0xb8;
	[tilespmem:$0x1E400] =	vst v63  }
0x91: {  	_ =	swait.ge [sflag:s30], $0x4000  }
0x92: {  	[sflag:s30] =	ssyncset.done $0x0  }
0x93: {  	s8 =	rddreg [dreg:$0x6];
	[sflag:s30] =	ssyncadd.s32 $0xFFFFC000  }
0x94: {  	[hbm4b:s8+s3] =	stream.linear.scatter [tilespmem:s18], [sflag:$0x8], $0x4000, $0x38;
	[tilespmem:$0x1E400] =	vst v63  }
0x95: {  	_ =	swait.ge [sflag:s31], $0x4000  }
0x96: {  	[sflag:s31] =	ssyncset.done $0x0  }
0x97: {  	s9 =	simm.s32 $0x6380;
	[sflag:s31] =	ssyncadd.s32 $0xFFFFC000  }
0x98: {  	[tilespmem:s18], [sflag:$0x2] =	stream.indirect.gather [hbm4b:s1+s16], $0x80, s9, s16, $0xb8;
	[tilespmem:$0x1E400] =	vst v63  }
0x99: {  	_ =	swait.ge [sflag:s2], $0x4000  }
0x9a: {  	[sflag:s2] =	ssyncset.done $0x0  }
0x9b: {  	s10 =	rddreg [dreg:$0x7];
	[sflag:s2] =	ssyncadd.s32 $0xFFFFC000  }
0x9c: {  	[hbm4b:s10+s3] =	stream.linear.scatter [tilespmem:s20], [sflag:$0x9], $0x4000, $0x38;
	[tilespmem:$0x1E400] =	vst v63  }
0x9d: {  	_ =	swait.ge [sflag:s19], $0x4000  }
0x9e: {  	[sflag:s19] =	ssyncset.done $0x0  }
0x9f: {  	s8 =	rddreg [dreg:$0x8];
	[sflag:s19] =	ssyncadd.s32 $0xFFFFC000  }
0xa0: {  	[hbm4b:s8+s3] =	stream.linear.scatter [tilespmem:s22], [sflag:$0xA], $0x4000, $0x38;
	[tilespmem:$0x1E400] =	vst v63  }
0xa1: {  	_ =	swait.ge [sflag:s23], $0x4000  }
0xa2: {  	[sflag:s23] =	ssyncset.done $0x0  }
0xa3: {  	s9 =	rddreg [dreg:$0x9];
	[sflag:s23] =	ssyncadd.s32 $0xFFFFC000  }
0xa4: {  	[hbm4b:s9+s3] =	stream.linear.scatter [tilespmem:s24], [sflag:$0xB], $0x4000, $0x38;
	[tilespmem:$0x1E400] =	vst v63  }
0xa5: {  	_ =	swait.ge [sflag:s4], $0x4000  }
0xa6: {  	[sflag:s4] =	ssyncset.done $0x0  }
0xa7: {  	s10 =	rddreg [dreg:$0xa];
	[sflag:s4] =	ssyncadd.s32 $0xFFFFC000  }
0xa8: {  	[hbm4b:s10+s3] =	stream.linear.scatter [tilespmem:s26], [sflag:$0xC], $0x4000, $0x38;
	[tilespmem:$0x1E400] =	vst v63  }
0xa9: {  	_ =	swait.ge [sflag:s28], $0x4000  }
0xaa: {  	[sflag:s28] =	ssyncset.done $0x0  }
0xab: {  	[sflag:s28] =	ssyncadd.s32 $0xFFFFC000  }
0xac: {  	[hbm4b:s11+s3] =	stream.linear.scatter [tilespmem:s17], [sflag:$0x7], $0x4000, $0x38;
	[tilespmem:$0x1E400] =	vst v63  }
0xad: {  	_ =	swait.ge [sflag:s30], $0x4000  }
0xae: {  	[sflag:s30] =	ssyncset.done $0x0  }
0xaf: {  	[sflag:s30] =	ssyncadd.s32 $0xFFFFC000  }
0xb0: {  	[hbm4b:s12+s3] =	stream.linear.scatter [tilespmem:s18], [sflag:$0x8], $0x4000, $0x38;
	[tilespmem:$0x1E400] =	vst v63  }
0xb1: {  	_ =	swait.ge [sflag:s0], $0x4000  }
0xb2: {  	[sflag:s0] =	ssyncset.done $0x0  }
0xb3: {  	[sflag:s0] =	ssyncadd.s32 $0xFFFFC000  }
0xb4: {  	_ =	swait.ge [sflag:s21], $0x4000  }
0xb5: {  	[sflag:s21] =	ssyncset.done $0x0  }
0xb6: {  	[sflag:s21] =	ssyncadd.s32 $0xFFFFC000  }
0xb7: {  	_ =	swait.ge [sflag:s25], $0x4000  }
0xb8: {  	[sflag:s25] =	ssyncset.done $0x0  }
0xb9: {  	[sflag:s25] =	ssyncadd.s32 $0xFFFFC000  }
0xba: {  	_ =	swait.ge [sflag:s5], $0x4000  }
0xbb: {  	[sflag:s5] =	ssyncset.done $0x0  }
0xbc: {  	s6 =	sadd.s32 $0x1, s6;
	[sflag:s5] =	ssyncadd.s32 $0xFFFFC000  }
0xbd: {  	p0 =	sne.s32 s6, s13;
	_ =	swait.ge [sflag:s29], $0x4000  }
.Ltmp1:
0xbe: {  	[sflag:s29] =	ssyncset.done $0x0;
	(pc) =	sbr.rel @p0 .LBB2_1-.Ltmp1, $4  }
0xbf: {  	[sflag:s29] =	ssyncadd.s32 $0xFFFFC000  }
0xc0: {  	_ =	swait.ge [sflag:s31], $0x4000  }
0xc1: {  	[sflag:s31] =	ssyncset.done $0x0  }
0xc2: {  	[sflag:s31] =	ssyncadd.s32 $0xFFFFC000  }
0xc3: {  	_ =	sfence.sel $0x180000  }
0xc4: {  	[bflag:$0x0] =	sbarrier.arrive $0xFFFF  }
0xc5: {  	_ =	strace $0x90000047  }
0xc6: {  	s0 =	stileid.u32;
	[bflag:$0x2] =	sbarrier.arrive $0xFFFF  }
0xc7: {  	p0 =	sne.s32 s0, $0x0;
	s0 =	rddreg [dreg:$0x3]  }
0xc8: {  	s0 =	sadd.s32 @!p0 $0x100000, s0  }
0xc9: {  	[sflag:s0] =	ssyncadd.tile.s32 @!p0 $0x1;
	_ =	shalt  }
.Lfunc_end2:
_tile_overlayer_lowered:
.L_overlay_start_2:
0xca: {  	(tag) =	ssettag $0x2  }
0xcb: {  	s0 =	rddreg [dreg:$0x0];
	s2 =	stileid.u32  }
0xcc: {  	s1 =	rddreg [dreg:$0x1];
	p0 =	sne.s32 s2, $0x0  }
0xcd: {  	s3 =	rddreg [dreg:$0x2];
	[bflag:$0x3] =	sbarrier.arrive $0xFFFF;
	s2 =	simm.s32 @!p0 $0x1C0D  }
0xce: {  	[timem:s3], [sflag:s2] =	dma.local @!p0 [hbm:s0], s1  }
0xcf: {  	s0 =	simm.s32 @!p0 $0xD  }
0xd0: {  	_ =	swait.ge @!p0 [sflag:s0], s1  }
0xd1: {  	s1 =	ssub.s32 @!p0 $0x0, s1;
	[sflag:s0] =	ssyncset.done @!p0 $0x0  }
0xd2: {  	[sflag:s0] =	ssyncadd.s32 @!p0 s1  }
0xd3: {  	[bflag:$0x3] =	sbarrier.arrive $0xFFFF  }
0xd4: {  	_ =	shalt  }

</sc_bundles>
